<compile_context>
chip_gen: v7x
topology: tpu7x:2x2x1
jax: 0.10.2.dev20260603
libtpu: 0.0.44.dev20260713+nightly
codegen_flags: <defaults>
</compile_context>

<pallas_src>
import functools

import jax
import jax.numpy as jnp
from jax import lax
from jax.experimental import pallas as pl
from jax.experimental.pallas import tpu as pltpu
from jax.experimental.pallas import tpu_sc as plsc

_N = 10000
_E = 320000
_D = 128
_NC = 2
_NS = 16
_NW = _NC * _NS
_LANES = 112


def _sc_segment_sum(h, pk0, pk1, zeros):
    K0 = pk0.shape[1]
    K1 = pk1.shape[1]
    assert K0 % 2 == 1 and K1 % 2 == 1, "pipeline assumes odd chunk counts"
    ACC = zeros.shape[0]
    mesh = plsc.VectorSubcoreMesh(core_axis_name="c", subcore_axis_name="s")

    @functools.partial(
        pl.kernel,
        out_type=jax.ShapeDtypeStruct((_NC, ACC, _D), jnp.float32),
        mesh=mesh,
        scratch_types=[
            pltpu.VMEM((max(K0, K1), _LANES), jnp.int32),
            pltpu.VMEM((2, _LANES), jnp.int32),
            pltpu.VMEM((2, _LANES), jnp.int32),
            pltpu.VMEM((_LANES, _D), jnp.float32),
            pltpu.VMEM((_LANES, _D), jnp.float32),
            pltpu.VMEM_SHARED((ACC, _D), jnp.float32),
            pltpu.SemaphoreType.DMA,
            pltpu.SemaphoreType.DMA,
        ],
    )
    def k(h_hbm, pk0_hbm, pk1_hbm, z_hbm, out_hbm, pk_v, idx_a, idx_b,
          rows_a, rows_b, acc, sem_a, sem_b):
        c = lax.axis_index("c")
        s = lax.axis_index("s")
        zrows = ACC // _NS
        pltpu.sync_copy(z_hbm.at[pl.ds(s * zrows, zrows)],
                        acc.at[pl.ds(s * zrows, zrows)])
        plsc.subcore_barrier()

        def unpack(t, idx):
            row = pk_v.at[t]
            for j in range(0, _LANES, 16):
                v = row[pl.ds(j, 16)]
                idx.at[0][pl.ds(j, 16)] = v & 0xFFFF
                idx.at[1][pl.ds(j, 16)] = v >> 16

        def run(pk_hbm, K):
            pltpu.sync_copy(pk_hbm.at[s], pk_v.at[pl.ds(0, K)])
            unpack(0, idx_a)
            pltpu.async_copy(h_hbm.at[idx_a.at[0]], rows_a, sem_a)

            @pl.loop(0, K - 1, step=2)
            def _(t):
                unpack(t + 1, idx_b)
                pltpu.async_copy(h_hbm.at[idx_b.at[0]], rows_b, sem_b)
                pltpu.make_async_copy(h_hbm.at[idx_a.at[0]], rows_a,
                                      sem_a).wait()
                pltpu.sync_copy(rows_a, acc.at[idx_a.at[1]], add=True)
                unpack(t + 2, idx_a)
                pltpu.async_copy(h_hbm.at[idx_a.at[0]], rows_a, sem_a)
                pltpu.make_async_copy(h_hbm.at[idx_b.at[0]], rows_b,
                                      sem_b).wait()
                pltpu.sync_copy(rows_b, acc.at[idx_b.at[1]], add=True)

            pltpu.make_async_copy(h_hbm.at[idx_a.at[0]], rows_a, sem_a).wait()
            pltpu.sync_copy(rows_a, acc.at[idx_a.at[1]], add=True)

        @pl.when(c == 0)
        def _():
            run(pk0_hbm, K0)

        @pl.when(c == 1)
        def _():
            run(pk1_hbm, K1)

        plsc.subcore_barrier()
        pltpu.sync_copy(acc.at[pl.ds(s * zrows, zrows)],
                        out_hbm.at[c, pl.ds(s * zrows, zrows)])

    return k(h, pk0, pk1, zeros)


_DN = (((1,), (1,)), ((), ()))


def _tc_self(h, W_self, bias2):
    B = 1000

    def body(h_ref, ws_ref, b_ref, o_ref):
        o_ref[...] = lax.dot_general(
            h_ref[...], ws_ref[...], _DN,
            preferred_element_type=jnp.float32,
            precision=lax.Precision.HIGHEST) + b_ref[...]

    return pl.pallas_call(
        body,
        grid=(_N // B,),
        in_specs=[
            pl.BlockSpec((B, _D), lambda i: (i, 0)),
            pl.BlockSpec((_D, _D), lambda i: (0, 0)),
            pl.BlockSpec((1, _D), lambda i: (0, 0)),
        ],
        out_specs=pl.BlockSpec((B, _D), lambda i: (i, 0)),
        out_shape=jax.ShapeDtypeStruct((_N, _D), jnp.float32),
    )(h, W_self, bias2)


def _tc_out(selft, p, deg2, W_neigh):
    B = 1000

    def body(st_ref, p0_ref, p1_ref, deg_ref, wn_ref, o_ref):
        a = (p0_ref[0] + p1_ref[0]) / deg_ref[...]
        acc = st_ref[...] + lax.dot_general(
            a, wn_ref[...], _DN, preferred_element_type=jnp.float32,
            precision=lax.Precision.HIGHEST)
        o_ref[...] = jnp.maximum(acc, 0.0)

    return pl.pallas_call(
        body,
        grid=(_N // B,),
        in_specs=[
            pl.BlockSpec((B, _D), lambda i: (i, 0)),
            pl.BlockSpec((1, B, _D), lambda i: (0, i, 0)),
            pl.BlockSpec((1, B, _D), lambda i: (1, i, 0)),
            pl.BlockSpec((B, 1), lambda i: (i, 0)),
            pl.BlockSpec((_D, _D), lambda i: (0, 0)),
        ],
        out_specs=pl.BlockSpec((B, _D), lambda i: (i, 0)),
        out_shape=jax.ShapeDtypeStruct((_N, _D), jnp.float32),
    )(selft, p, p, deg2, W_neigh)


def kernel(h, edge_index, deg, W_self, W_neigh, bias):
    src = edge_index[0]
    dst = edge_index[1]
    K0, K1 = 149, 31
    e0 = _NS * K0 * _LANES
    e1_pad = _NS * K1 * _LANES
    assert e0 + e1_pad >= _E
    acc_rows = 128 * (-(-(_N + 1) // 128))
    packed = src | (dst << 16)
    pad = jnp.full((e0 + e1_pad - _E,), _N << 16, jnp.int32)
    pk0 = packed[:e0].reshape(_NS, K0, _LANES)
    pk1 = jnp.concatenate([packed[e0:], pad]).reshape(_NS, K1, _LANES)
    zeros = jnp.zeros((acc_rows, _D), jnp.float32)
    selft = _tc_self(h, W_self, bias.reshape(1, _D))
    partials = _sc_segment_sum(h, pk0, pk1, zeros)
    return _tc_out(selft, partials, deg.reshape(_N, 1), W_neigh)

# --- scband reference (transcript-rebuilt; emitter-appended) ---
"""Pipeline reference for scband-graph-sagelayer-64192581206554 (READ-ONLY COPY).

The authoritative reference and input builder live on the scoring server;
editing this copy changes nothing except your own understanding.
"""

import jax, jax.numpy as jnp
import numpy as np

N = 10000
E = 320000
D = 128

def setup_inputs(seed: int = 0) -> dict:
    key = jax.random.key(seed)
    k1, k2, k3, k4 = jax.random.split(key, 4)
    h = jax.random.normal(k1, (N, D), dtype=jnp.float32)
    edge_index = jax.random.randint(k2, (2, E), 0, N, dtype=jnp.int32)
    # degree of each destination node, clamped to >= 1 to avoid div-by-zero
    deg = jnp.maximum(jnp.bincount(edge_index[1], length=N), 1).astype(jnp.float32)
    # Learned parameters sized per init_kwargs (nn.Linear weights are [out_dim, in_dim])
    W_self = jax.random.normal(k3, (D, D), dtype=jnp.float32) * (1.0 / np.sqrt(D))
    W_neigh = jax.random.normal(k4, (D, D), dtype=jnp.float32) * (1.0 / np.sqrt(D))
    bias = jnp.zeros((D,), dtype=jnp.float32)
    return {"h": h, "edge_index": edge_index, "deg": deg, "W_self": W_self, "W_neigh": W_neigh, "bias": bias}

def reference(h, edge_index, deg, W_self, W_neigh, bias):
    # adj is a sparse [N, N] matrix with a 1 at (dst, src) for each edge.
    # torch.sparse.mm(adj, h) == scatter-add of h[src] into rows dst.
    src = edge_index[0]
    dst = edge_index[1]
    neigh_sum = jax.ops.segment_sum(jnp.take(h, src, axis=0), dst, num_segments=N)
    neigh_mean = neigh_sum / deg[:, None]
    out = h @ W_self.T + neigh_mean @ W_neigh.T + bias
    return jax.nn.relu(out)

if __name__ == "__main__":
    import jax
    _d = setup_inputs()
    print(jax.jit(kernel)(*tuple(_d.values())))

</pallas_src>

<mosaic_0001>
#map = affine_map<(d0, d1) -> (0, 0)>
#map1 = affine_map<(d0, d1) -> (0, 0, 0)>
module attributes {stable_mosaic.version = 14 : i64} {
  func.func @k(%arg0: i32, %arg1: i32, %arg2: memref<10000x128xf32, #tpu.memory_space<hbm>>, %arg3: memref<16x149x112xi32, #tpu.memory_space<hbm>>, %arg4: memref<16x31x112xi32, #tpu.memory_space<hbm>>, %arg5: memref<10112x128xf32, #tpu.memory_space<hbm>>, %arg6: memref<2x10112x128xf32, #tpu.memory_space<hbm>>, %arg7: memref<149x112xi32, #tpu.memory_space<vmem>>, %arg8: memref<2x112xi32, #tpu.memory_space<vmem>>, %arg9: memref<2x112xi32, #tpu.memory_space<vmem>>, %arg10: memref<112x128xf32, #tpu.memory_space<vmem>>, %arg11: memref<112x128xf32, #tpu.memory_space<vmem>>, %arg12: memref<10112x128xf32, #tpu.memory_space<vmem_shared>>, %arg13: memref<!tpu.dma_semaphore, #tpu.memory_space<semaphore_mem>>, %arg14: memref<!tpu.dma_semaphore, #tpu.memory_space<semaphore_mem>>) attributes {dimension_semantics = [#tpu.dimension_semantics<core_parallel>, #tpu.dimension_semantics<subcore_parallel>], iteration_bounds = array<i64: 2, 16>, scalar_prefetch = 0 : i64, scratch_operands = 8 : i64, tpu.core_type = #tpu.core_type<sc_vector_subcore>, window_params = [{transform_indices = #map}, {transform_indices = #map1}, {transform_indices = #map1}, {transform_indices = #map}, {transform_indices = #map1}]} {
    %mul3A = arith.constant 632 : i32
    %mul3A_0 = arith.muli %arg1, %mul3A : i32
    %mul3A_1 = arith.constant 632 : i32
    %mul3A_2 = arith.muli %arg1, %mul3A_1 : i32
    "tpu.region"() ({
      %run_scoped3A = tpu.sem_alloc : memref<!tpu.dma_semaphore, #tpu.memory_space<semaphore_mem>>
      %dma_start3A = arith.constant 0 : i32
      %dma_start3A_15 = tpu.memref_slice %arg12[%mul3A_2, %dma_start3A] : memref<10112x128xf32, #tpu.memory_space<vmem_shared>> -> memref<632x128xf32, #tpu.memory_space<vmem_shared>>
      %dma_start3A_16 = arith.constant 0 : i32
      %dma_start3A_17 = tpu.memref_slice %arg5[%mul3A_0, %dma_start3A_16] : memref<10112x128xf32, #tpu.memory_space<hbm>> -> memref<632x128xf32, #tpu.memory_space<hbm>>
      tpu.enqueue_dma source(%dma_start3A_17 : memref<632x128xf32, #tpu.memory_space<hbm>>) target(%dma_start3A_15 : memref<632x128xf32, #tpu.memory_space<vmem_shared>>) target_semaphore(%run_scoped3A : memref<!tpu.dma_semaphore, #tpu.memory_space<semaphore_mem>>)
      %dma_wait3A = arith.constant 0 : i32
      %dma_wait3A_18 = tpu.memref_slice %arg12[%mul3A_2, %dma_wait3A] : memref<10112x128xf32, #tpu.memory_space<vmem_shared>> -> memref<632x128xf32, #tpu.memory_space<vmem_shared>>
      %dma_wait3A_19 = arith.constant 0 : i32
      %dma_wait3A_20 = tpu.memref_slice %arg5[%mul3A_0, %dma_wait3A_19] : memref<10112x128xf32, #tpu.memory_space<hbm>> -> memref<632x128xf32, #tpu.memory_space<hbm>>
      tpu.wait_dma2 semaphore(%run_scoped3A : memref<!tpu.dma_semaphore, #tpu.memory_space<semaphore_mem>>) src(%dma_wait3A_20 : memref<632x128xf32, #tpu.memory_space<hbm>>) dst(%dma_wait3A_18 : memref<632x128xf32, #tpu.memory_space<vmem_shared>>)
      tpu.yield
    }) : () -> ()
    %barrier3A = arith.constant 0 : index
    tpu.barrier barrier_id(%barrier3A)
    %eq3A = arith.constant 0 : i32
    %eq3A_3 = arith.cmpi eq, %arg0, %eq3A : i32
    %convert_element_type3A = arith.extui %eq3A_3 : i1 to i32
    %cond3A = arith.constant 0 : i32
    %cond3A_4 = arith.cmpi ne, %convert_element_type3A, %cond3A : i32
    scf.if %cond3A_4 {
      "tpu.region"() ({
        %run_scoped3A_230 = tpu.sem_alloc : memref<!tpu.dma_semaphore, #tpu.memory_space<semaphore_mem>>
        %dma_start3A_231 = arith.constant 0 : i32
        %dma_start3A_232 = arith.constant 0 : i32
        %dma_start3A_233 = tpu.memref_slice %arg7[%dma_start3A_231, %dma_start3A_232] : memref<149x112xi32, #tpu.memory_space<vmem>> -> memref<149x112xi32, #tpu.memory_space<vmem>>
        %dma_start3A_234 = arith.constant 0 : i32
        %dma_start3A_235 = arith.constant 0 : i32
        %dma_start3A_236 = tpu.memref_slice %arg3[%arg1, %dma_start3A_234, %dma_start3A_235] : memref<16x149x112xi32, #tpu.memory_space<hbm>> -> memref<1x149x112xi32, #tpu.memory_space<hbm>>
        %dma_start3A_237 = tpu.memref_squeeze %dma_start3A_236 : memref<1x149x112xi32, #tpu.memory_space<hbm>> -> memref<149x112xi32, #tpu.memory_space<hbm>>
        %dma_start3A_238 = arith.constant 0 : i32
        %dma_start3A_239 = arith.constant 0 : i32
        %dma_start3A_240 = tpu.memref_slice %arg7[%dma_start3A_238, %dma_start3A_239] : memref<149x112xi32, #tpu.memory_space<vmem>> -> memref<149x112xi32, #tpu.memory_space<vmem>>
        %dma_start3A_241 = arith.constant 0 : i32
        %dma_start3A_242 = arith.constant 0 : i32
        %dma_start3A_243 = tpu.memref_slice %arg3[%arg1, %dma_start3A_241, %dma_start3A_242] : memref<16x149x112xi32, #tpu.memory_space<hbm>> -> memref<1x149x112xi32, #tpu.memory_space<hbm>>
        %dma_start3A_244 = tpu.memref_squeeze %dma_start3A_243 : memref<1x149x112xi32, #tpu.memory_space<hbm>> -> memref<149x112xi32, #tpu.memory_space<hbm>>
        tpu.enqueue_dma source(%dma_start3A_244 : memref<149x112xi32, #tpu.memory_space<hbm>>) target(%dma_start3A_240 : memref<149x112xi32, #tpu.memory_space<vmem>>) target_semaphore(%run_scoped3A_230 : memref<!tpu.dma_semaphore, #tpu.memory_space<semaphore_mem>>)
        %dma_wait3A_245 = arith.constant 0 : i32
        %dma_wait3A_246 = arith.constant 0 : i32
        %dma_wait3A_247 = tpu.memref_slice %arg7[%dma_wait3A_245, %dma_wait3A_246] : memref<149x112xi32, #tpu.memory_space<vmem>> -> memref<149x112xi32, #tpu.memory_space<vmem>>
        %dma_wait3A_248 = arith.constant 0 : i32
        %dma_wait3A_249 = arith.constant 0 : i32
        %dma_wait3A_250 = tpu.memref_slice %arg3[%arg1, %dma_wait3A_248, %dma_wait3A_249] : memref<16x149x112xi32, #tpu.memory_space<hbm>> -> memref<1x149x112xi32, #tpu.memory_space<hbm>>
        %dma_wait3A_251 = tpu.memref_squeeze %dma_wait3A_250 : memref<1x149x112xi32, #tpu.memory_space<hbm>> -> memref<149x112xi32, #tpu.memory_space<hbm>>
        %dma_wait3A_252 = arith.constant 0 : i32
        %dma_wait3A_253 = arith.constant 0 : i32
        %dma_wait3A_254 = tpu.memref_slice %arg7[%dma_wait3A_252, %dma_wait3A_253] : memref<149x112xi32, #tpu.memory_space<vmem>> -> memref<149x112xi32, #tpu.memory_space<vmem>>
        %dma_wait3A_255 = arith.constant 0 : i32
        %dma_wait3A_256 = arith.constant 0 : i32
        %dma_wait3A_257 = tpu.memref_slice %arg3[%arg1, %dma_wait3A_255, %dma_wait3A_256] : memref<16x149x112xi32, #tpu.memory_space<hbm>> -> memref<1x149x112xi32, #tpu.memory_space<hbm>>
        %dma_wait3A_258 = tpu.memref_squeeze %dma_wait3A_257 : memref<1x149x112xi32, #tpu.memory_space<hbm>> -> memref<149x112xi32, #tpu.memory_space<hbm>>
        tpu.wait_dma2 semaphore(%run_scoped3A_230 : memref<!tpu.dma_semaphore, #tpu.memory_space<semaphore_mem>>) src(%dma_wait3A_258 : memref<149x112xi32, #tpu.memory_space<hbm>>) dst(%dma_wait3A_254 : memref<149x112xi32, #tpu.memory_space<vmem>>)
        tpu.yield
      }) : () -> ()
      %get3A = arith.constant 0 : i32
      %get3A_15 = arith.constant 0 : i32
      %get3A_16 = tpu.memref_slice %arg7[%get3A, %get3A_15] : memref<149x112xi32, #tpu.memory_space<vmem>> -> memref<1x112xi32, #tpu.memory_space<vmem>>
      %get3A_17 = tpu.memref_squeeze %get3A_16 : memref<1x112xi32, #tpu.memory_space<vmem>> -> memref<112xi32, #tpu.memory_space<vmem>>
      %get3A_18 = arith.constant 0 : index
      %get3A_19 = tpu.vector_load %get3A_17[%get3A_18] {strides = array<i32>} : memref<112xi32, #tpu.memory_space<vmem>>, vector<16xi32>,
      %get3A_20 = vector.shape_cast %get3A_19 : vector<16xi32> to vector<16xi32>
      %and3A = arith.constant 65535 : i32
      %and3A_21 = vector.broadcast %and3A : i32 to vector<16xi32>
      %and3A_22 = arith.andi %get3A_20, %and3A_21 : vector<16xi32>
      %swap3A = arith.constant 0 : i32
      %swap3A_23 = arith.constant 0 : i32
      %swap3A_24 = tpu.memref_slice %arg8[%swap3A, %swap3A_23] : memref<2x112xi32, #tpu.memory_space<vmem>> -> memref<1x112xi32, #tpu.memory_space<vmem>>
      %swap3A_25 = tpu.memref_squeeze %swap3A_24 : memref<1x112xi32, #tpu.memory_space<vmem>> -> memref<112xi32, #tpu.memory_space<vmem>>
      %swap3A_26 = arith.constant 0 : index
      %swap3A_27 = tpu.vector_load %swap3A_25[%swap3A_26] {strides = array<i32>} : memref<112xi32, #tpu.memory_space<vmem>>, vector<16xi32>,
      %swap3A_28 = vector.shape_cast %swap3A_27 : vector<16xi32> to vector<16xi32>
      %swap3A_29 = vector.shape_cast %and3A_22 : vector<16xi32> to vector<16xi32>
      tpu.vector_store %swap3A_25[%swap3A_26], %swap3A_29 {strides = array<i32>} : memref<112xi32, #tpu.memory_space<vmem>>, vector<16xi32>,
      %shift_right_arithmetic3A = arith.constant 16 : i32
      %shift_right_arithmetic3A_30 = vector.broadcast %shift_right_arithmetic3A : i32 to vector<16xi32>
      %shift_right_arithmetic3A_31 = arith.shrsi %get3A_20, %shift_right_arithmetic3A_30 : vector<16xi32>
      %swap3A_32 = arith.constant 1 : i32
      %swap3A_33 = arith.constant 0 : i32
      %swap3A_34 = tpu.memref_slice %arg8[%swap3A_32, %swap3A_33] : memref<2x112xi32, #tpu.memory_space<vmem>> -> memref<1x112xi32, #tpu.memory_space<vmem>>
      %swap3A_35 = tpu.memref_squeeze %swap3A_34 : memref<1x112xi32, #tpu.memory_space<vmem>> -> memref<112xi32, #tpu.memory_space<vmem>>
      %swap3A_36 = arith.constant 0 : index
      %swap3A_37 = tpu.vector_load %swap3A_35[%swap3A_36] {strides = array<i32>} : memref<112xi32, #tpu.memory_space<vmem>>, vector<16xi32>,
      %swap3A_38 = vector.shape_cast %swap3A_37 : vector<16xi32> to vector<16xi32>
      %swap3A_39 = vector.shape_cast %shift_right_arithmetic3A_31 : vector<16xi32> to vector<16xi32>
      tpu.vector_store %swap3A_35[%swap3A_36], %swap3A_39 {strides = array<i32>} : memref<112xi32, #tpu.memory_space<vmem>>, vector<16xi32>,
      %get3A_40 = arith.constant 0 : i32
      %get3A_41 = arith.constant 0 : i32
      %get3A_42 = tpu.memref_slice %arg7[%get3A_40, %get3A_41] : memref<149x112xi32, #tpu.memory_space<vmem>> -> memref<1x112xi32, #tpu.memory_space<vmem>>
      %get3A_43 = tpu.memref_squeeze %get3A_42 : memref<1x112xi32, #tpu.memory_space<vmem>> -> memref<112xi32, #tpu.memory_space<vmem>>
      %get3A_44 = arith.constant 16 : index
      %get3A_45 = tpu.vector_load %get3A_43[%get3A_44] {strides = array<i32>} : memref<112xi32, #tpu.memory_space<vmem>>, vector<16xi32>,
      %get3A_46 = vector.shape_cast %get3A_45 : vector<16xi32> to vector<16xi32>
      %and3A_47 = arith.constant 65535 : i32
      %and3A_48 = vector.broadcast %and3A_47 : i32 to vector<16xi32>
      %and3A_49 = arith.andi %get3A_46, %and3A_48 : vector<16xi32>
      %swap3A_50 = arith.constant 0 : i32
      %swap3A_51 = arith.constant 0 : i32
      %swap3A_52 = tpu.memref_slice %arg8[%swap3A_50, %swap3A_51] : memref<2x112xi32, #tpu.memory_space<vmem>> -> memref<1x112xi32, #tpu.memory_space<vmem>>
      %swap3A_53 = tpu.memref_squeeze %swap3A_52 : memref<1x112xi32, #tpu.memory_space<vmem>> -> memref<112xi32, #tpu.memory_space<vmem>>
      %swap3A_54 = arith.constant 16 : index
      %swap3A_55 = tpu.vector_load %swap3A_53[%swap3A_54] {strides = array<i32>} : memref<112xi32, #tpu.memory_space<vmem>>, vector<16xi32>,
      %swap3A_56 = vector.shape_cast %swap3A_55 : vector<16xi32> to vector<16xi32>
      %swap3A_57 = vector.shape_cast %and3A_49 : vector<16xi32> to vector<16xi32>
      tpu.vector_store %swap3A_53[%swap3A_54], %swap3A_57 {strides = array<i32>} : memref<112xi32, #tpu.memory_space<vmem>>, vector<16xi32>,
      %shift_right_arithmetic3A_58 = arith.constant 16 : i32
      %shift_right_arithmetic3A_59 = vector.broadcast %shift_right_arithmetic3A_58 : i32 to vector<16xi32>
      %shift_right_arithmetic3A_60 = arith.shrsi %get3A_46, %shift_right_arithmetic3A_59 : vector<16xi32>
      %swap3A_61 = arith.constant 1 : i32
      %swap3A_62 = arith.constant 0 : i32
      %swap3A_63 = tpu.memref_slice %arg8[%swap3A_61, %swap3A_62] : memref<2x112xi32, #tpu.memory_space<vmem>> -> memref<1x112xi32, #tpu.memory_space<vmem>>
      %swap3A_64 = tpu.memref_squeeze %swap3A_63 : memref<1x112xi32, #tpu.memory_space<vmem>> -> memref<112xi32, #tpu.memory_space<vmem>>
      %swap3A_65 = arith.constant 16 : index
      %swap3A_66 = tpu.vector_load %swap3A_64[%swap3A_65] {strides = array<i32>} : memref<112xi32, #tpu.memory_space<vmem>>, vector<16xi32>,
      %swap3A_67 = vector.shape_cast %swap3A_66 : vector<16xi32> to vector<16xi32>
      %swap3A_68 = vector.shape_cast %shift_right_arithmetic3A_60 : vector<16xi32> to vector<16xi32>
      tpu.vector_store %swap3A_64[%swap3A_65], %swap3A_68 {strides = array<i32>} : memref<112xi32, #tpu.memory_space<vmem>>, vector<16xi32>,
      %get3A_69 = arith.constant 0 : i32
      %get3A_70 = arith.constant 0 : i32
      %get3A_71 = tpu.memref_slice %arg7[%get3A_69, %get3A_70] : memref<149x112xi32, #tpu.memory_space<vmem>> -> memref<1x112xi32, #tpu.memory_space<vmem>>
      %get3A_72 = tpu.memref_squeeze %get3A_71 : memref<1x112xi32, #tpu.memory_space<vmem>> -> memref<112xi32, #tpu.memory_space<vmem>>
      %get3A_73 = arith.constant 32 : index
      %get3A_74 = tpu.vector_load %get3A_72[%get3A_73] {strides = array<i32>} : memref<112xi32, #tpu.memory_space<vmem>>, vector<16xi32>,
      %get3A_75 = vector.shape_cast %get3A_74 : vector<16xi32> to vector<16xi32>
      %and3A_76 = arith.constant 65535 : i32
      %and3A_77 = vector.broadcast %and3A_76 : i32 to vector<16xi32>
      %and3A_78 = arith.andi %get3A_75, %and3A_77 : vector<16xi32>
      %swap3A_79 = arith.constant 0 : i32
      %swap3A_80 = arith.constant 0 : i32
      %swap3A_81 = tpu.memref_slice %arg8[%swap3A_79, %swap3A_80] : memref<2x112xi32, #tpu.memory_space<vmem>> -> memref<1x112xi32, #tpu.memory_space<vmem>>
      %swap3A_82 = tpu.memref_squeeze %swap3A_81 : memref<1x112xi32, #tpu.memory_space<vmem>> -> memref<112xi32, #tpu.memory_space<vmem>>
      %swap3A_83 = arith.constant 32 : index
      %swap3A_84 = tpu.vector_load %swap3A_82[%swap3A_83] {strides = array<i32>} : memref<112xi32, #tpu.memory_space<vmem>>, vector<16xi32>,
      %swap3A_85 = vector.shape_cast %swap3A_84 : vector<16xi32> to vector<16xi32>
      %swap3A_86 = vector.shape_cast %and3A_78 : vector<16xi32> to vector<16xi32>
      tpu.vector_store %swap3A_82[%swap3A_83], %swap3A_86 {strides = array<i32>} : memref<112xi32, #tpu.memory_space<vmem>>, vector<16xi32>,
      %shift_right_arithmetic3A_87 = arith.constant 16 : i32
      %shift_right_arithmetic3A_88 = vector.broadcast %shift_right_arithmetic3A_87 : i32 to vector<16xi32>
      %shift_right_arithmetic3A_89 = arith.shrsi %get3A_75, %shift_right_arithmetic3A_88 : vector<16xi32>
      %swap3A_90 = arith.constant 1 : i32
      %swap3A_91 = arith.constant 0 : i32
      %swap3A_92 = tpu.memref_slice %arg8[%swap3A_90, %swap3A_91] : memref<2x112xi32, #tpu.memory_space<vmem>> -> memref<1x112xi32, #tpu.memory_space<vmem>>
      %swap3A_93 = tpu.memref_squeeze %swap3A_92 : memref<1x112xi32, #tpu.memory_space<vmem>> -> memref<112xi32, #tpu.memory_space<vmem>>
      %swap3A_94 = arith.constant 32 : index
      %swap3A_95 = tpu.vector_load %swap3A_93[%swap3A_94] {strides = array<i32>} : memref<112xi32, #tpu.memory_space<vmem>>, vector<16xi32>,
      %swap3A_96 = vector.shape_cast %swap3A_95 : vector<16xi32> to vector<16xi32>
      %swap3A_97 = vector.shape_cast %shift_right_arithmetic3A_89 : vector<16xi32> to vector<16xi32>
      tpu.vector_store %swap3A_93[%swap3A_94], %swap3A_97 {strides = array<i32>} : memref<112xi32, #tpu.memory_space<vmem>>, vector<16xi32>,
      %get3A_98 = arith.constant 0 : i32
      %get3A_99 = arith.constant 0 : i32
      %get3A_100 = tpu.memref_slice %arg7[%get3A_98, %get3A_99] : memref<149x112xi32, #tpu.memory_space<vmem>> -> memref<1x112xi32, #tpu.memory_space<vmem>>
      %get3A_101 = tpu.memref_squeeze %get3A_100 : memref<1x112xi32, #tpu.memory_space<vmem>> -> memref<112xi32, #tpu.memory_space<vmem>>
      %get3A_102 = arith.constant 48 : index
      %get3A_103 = tpu.vector_load %get3A_101[%get3A_102] {strides = array<i32>} : memref<112xi32, #tpu.memory_space<vmem>>, vector<16xi32>,
      %get3A_104 = vector.shape_cast %get3A_103 : vector<16xi32> to vector<16xi32>
      %and3A_105 = arith.constant 65535 : i32
      %and3A_106 = vector.broadcast %and3A_105 : i32 to vector<16xi32>
      %and3A_107 = arith.andi %get3A_104, %and3A_106 : vector<16xi32>
      %swap3A_108 = arith.constant 0 : i32
      %swap3A_109 = arith.constant 0 : i32
      %swap3A_110 = tpu.memref_slice %arg8[%swap3A_108, %swap3A_109] : memref<2x112xi32, #tpu.memory_space<vmem>> -> memref<1x112xi32, #tpu.memory_space<vmem>>
      %swap3A_111 = tpu.memref_squeeze %swap3A_110 : memref<1x112xi32, #tpu.memory_space<vmem>> -> memref<112xi32, #tpu.memory_space<vmem>>
      %swap3A_112 = arith.constant 48 : index
      %swap3A_113 = tpu.vector_load %swap3A_111[%swap3A_112] {strides = array<i32>} : memref<112xi32, #tpu.memory_space<vmem>>, vector<16xi32>,
      %swap3A_114 = vector.shape_cast %swap3A_113 : vector<16xi32> to vector<16xi32>
      %swap3A_115 = vector.shape_cast %and3A_107 : vector<16xi32> to vector<16xi32>
      tpu.vector_store %swap3A_111[%swap3A_112], %swap3A_115 {strides = array<i32>} : memref<112xi32, #tpu.memory_space<vmem>>, vector<16xi32>,
      %shift_right_arithmetic3A_116 = arith.constant 16 : i32
      %shift_right_arithmetic3A_117 = vector.broadcast %shift_right_arithmetic3A_116 : i32 to vector<16xi32>
      %shift_right_arithmetic3A_118 = arith.shrsi %get3A_104, %shift_right_arithmetic3A_117 : vector<16xi32>
      %swap3A_119 = arith.constant 1 : i32
      %swap3A_120 = arith.constant 0 : i32
      %swap3A_121 = tpu.memref_slice %arg8[%swap3A_119, %swap3A_120] : memref<2x112xi32, #tpu.memory_space<vmem>> -> memref<1x112xi32, #tpu.memory_space<vmem>>
      %swap3A_122 = tpu.memref_squeeze %swap3A_121 : memref<1x112xi32, #tpu.memory_space<vmem>> -> memref<112xi32, #tpu.memory_space<vmem>>
      %swap3A_123 = arith.constant 48 : index
      %swap3A_124 = tpu.vector_load %swap3A_122[%swap3A_123] {strides = array<i32>} : memref<112xi32, #tpu.memory_space<vmem>>, vector<16xi32>,
      %swap3A_125 = vector.shape_cast %swap3A_124 : vector<16xi32> to vector<16xi32>
      %swap3A_126 = vector.shape_cast %shift_right_arithmetic3A_118 : vector<16xi32> to vector<16xi32>
      tpu.vector_store %swap3A_122[%swap3A_123], %swap3A_126 {strides = array<i32>} : memref<112xi32, #tpu.memory_space<vmem>>, vector<16xi32>,
      %get3A_127 = arith.constant 0 : i32
      %get3A_128 = arith.constant 0 : i32
      %get3A_129 = tpu.memref_slice %arg7[%get3A_127, %get3A_128] : memref<149x112xi32, #tpu.memory_space<vmem>> -> memref<1x112xi32, #tpu.memory_space<vmem>>
      %get3A_130 = tpu.memref_squeeze %get3A_129 : memref<1x112xi32, #tpu.memory_space<vmem>> -> memref<112xi32, #tpu.memory_space<vmem>>
      %get3A_131 = arith.constant 64 : index
      %get3A_132 = tpu.vector_load %get3A_130[%get3A_131] {strides = array<i32>} : memref<112xi32, #tpu.memory_space<vmem>>, vector<16xi32>,
      %get3A_133 = vector.shape_cast %get3A_132 : vector<16xi32> to vector<16xi32>
      %and3A_134 = arith.constant 65535 : i32
      %and3A_135 = vector.broadcast %and3A_134 : i32 to vector<16xi32>
      %and3A_136 = arith.andi %get3A_133, %and3A_135 : vector<16xi32>
      %swap3A_137 = arith.constant 0 : i32
      %swap3A_138 = arith.constant 0 : i32
      %swap3A_139 = tpu.memref_slice %arg8[%swap3A_137, %swap3A_138] : memref<2x112xi32, #tpu.memory_space<vmem>> -> memref<1x112xi32, #tpu.memory_space<vmem>>
      %swap3A_140 = tpu.memref_squeeze %swap3A_139 : memref<1x112xi32, #tpu.memory_space<vmem>> -> memref<112xi32, #tpu.memory_space<vmem>>
      %swap3A_141 = arith.constant 64 : index
      %swap3A_142 = tpu.vector_load %swap3A_140[%swap3A_141] {strides = array<i32>} : memref<112xi32, #tpu.memory_space<vmem>>, vector<16xi32>,
      %swap3A_143 = vector.shape_cast %swap3A_142 : vector<16xi32> to vector<16xi32>
      %swap3A_144 = vector.shape_cast %and3A_136 : vector<16xi32> to vector<16xi32>
      tpu.vector_store %swap3A_140[%swap3A_141], %swap3A_144 {strides = array<i32>} : memref<112xi32, #tpu.memory_space<vmem>>, vector<16xi32>,
      %shift_right_arithmetic3A_145 = arith.constant 16 : i32
      %shift_right_arithmetic3A_146 = vector.broadcast %shift_right_arithmetic3A_145 : i32 to vector<16xi32>
      %shift_right_arithmetic3A_147 = arith.shrsi %get3A_133, %shift_right_arithmetic3A_146 : vector<16xi32>
      %swap3A_148 = arith.constant 1 : i32
      %swap3A_149 = arith.constant 0 : i32
      %swap3A_150 = tpu.memref_slice %arg8[%swap3A_148, %swap3A_149] : memref<2x112xi32, #tpu.memory_space<vmem>> -> memref<1x112xi32, #tpu.memory_space<vmem>>
      %swap3A_151 = tpu.memref_squeeze %swap3A_150 : memref<1x112xi32, #tpu.memory_space<vmem>> -> memref<112xi32, #tpu.memory_space<vmem>>
      %swap3A_152 = arith.constant 64 : index
      %swap3A_153 = tpu.vector_load %swap3A_151[%swap3A_152] {strides = array<i32>} : memref<112xi32, #tpu.memory_space<vmem>>, vector<16xi32>,
      %swap3A_154 = vector.shape_cast %swap3A_153 : vector<16xi32> to vector<16xi32>
      %swap3A_155 = vector.shape_cast %shift_right_arithmetic3A_147 : vector<16xi32> to vector<16xi32>
      tpu.vector_store %swap3A_151[%swap3A_152], %swap3A_155 {strides = array<i32>} : memref<112xi32, #tpu.memory_space<vmem>>, vector<16xi32>,
      %get3A_156 = arith.constant 0 : i32
      %get3A_157 = arith.constant 0 : i32
      %get3A_158 = tpu.memref_slice %arg7[%get3A_156, %get3A_157] : memref<149x112xi32, #tpu.memory_space<vmem>> -> memref<1x112xi32, #tpu.memory_space<vmem>>
      %get3A_159 = tpu.memref_squeeze %get3A_158 : memref<1x112xi32, #tpu.memory_space<vmem>> -> memref<112xi32, #tpu.memory_space<vmem>>
      %get3A_160 = arith.constant 80 : index
      %get3A_161 = tpu.vector_load %get3A_159[%get3A_160] {strides = array<i32>} : memref<112xi32, #tpu.memory_space<vmem>>, vector<16xi32>,
      %get3A_162 = vector.shape_cast %get3A_161 : vector<16xi32> to vector<16xi32>
      %and3A_163 = arith.constant 65535 : i32
      %and3A_164 = vector.broadcast %and3A_163 : i32 to vector<16xi32>
      %and3A_165 = arith.andi %get3A_162, %and3A_164 : vector<16xi32>
      %swap3A_166 = arith.constant 0 : i32
      %swap3A_167 = arith.constant 0 : i32
      %swap3A_168 = tpu.memref_slice %arg8[%swap3A_166, %swap3A_167] : memref<2x112xi32, #tpu.memory_space<vmem>> -> memref<1x112xi32, #tpu.memory_space<vmem>>
      %swap3A_169 = tpu.memref_squeeze %swap3A_168 : memref<1x112xi32, #tpu.memory_space<vmem>> -> memref<112xi32, #tpu.memory_space<vmem>>
      %swap3A_170 = arith.constant 80 : index
      %swap3A_171 = tpu.vector_load %swap3A_169[%swap3A_170] {strides = array<i32>} : memref<112xi32, #tpu.memory_space<vmem>>, vector<16xi32>,
      %swap3A_172 = vector.shape_cast %swap3A_171 : vector<16xi32> to vector<16xi32>
      %swap3A_173 = vector.shape_cast %and3A_165 : vector<16xi32> to vector<16xi32>
      tpu.vector_store %swap3A_169[%swap3A_170], %swap3A_173 {strides = array<i32>} : memref<112xi32, #tpu.memory_space<vmem>>, vector<16xi32>,
      %shift_right_arithmetic3A_174 = arith.constant 16 : i32
      %shift_right_arithmetic3A_175 = vector.broadcast %shift_right_arithmetic3A_174 : i32 to vector<16xi32>
      %shift_right_arithmetic3A_176 = arith.shrsi %get3A_162, %shift_right_arithmetic3A_175 : vector<16xi32>
      %swap3A_177 = arith.constant 1 : i32
      %swap3A_178 = arith.constant 0 : i32
      %swap3A_179 = tpu.memref_slice %arg8[%swap3A_177, %swap3A_178] : memref<2x112xi32, #tpu.memory_space<vmem>> -> memref<1x112xi32, #tpu.memory_space<vmem>>
      %swap3A_180 = tpu.memref_squeeze %swap3A_179 : memref<1x112xi32, #tpu.memory_space<vmem>> -> memref<112xi32, #tpu.memory_space<vmem>>
      %swap3A_181 = arith.constant 80 : index
      %swap3A_182 = tpu.vector_load %swap3A_180[%swap3A_181] {strides = array<i32>} : memref<112xi32, #tpu.memory_space<vmem>>, vector<16xi32>,
      %swap3A_183 = vector.shape_cast %swap3A_182 : vector<16xi32> to vector<16xi32>
      %swap3A_184 = vector.shape_cast %shift_right_arithmetic3A_176 : vector<16xi32> to vector<16xi32>
      tpu.vector_store %swap3A_180[%swap3A_181], %swap3A_184 {strides = array<i32>} : memref<112xi32, #tpu.memory_space<vmem>>, vector<16xi32>,
      %get3A_185 = arith.constant 0 : i32
      %get3A_186 = arith.constant 0 : i32
      %get3A_187 = tpu.memref_slice %arg7[%get3A_185, %get3A_186] : memref<149x112xi32, #tpu.memory_space<vmem>> -> memref<1x112xi32, #tpu.memory_space<vmem>>
      %get3A_188 = tpu.memref_squeeze %get3A_187 : memref<1x112xi32, #tpu.memory_space<vmem>> -> memref<112xi32, #tpu.memory_space<vmem>>
      %get3A_189 = arith.constant 96 : index
      %get3A_190 = tpu.vector_load %get3A_188[%get3A_189] {strides = array<i32>} : memref<112xi32, #tpu.memory_space<vmem>>, vector<16xi32>,
      %get3A_191 = vector.shape_cast %get3A_190 : vector<16xi32> to vector<16xi32>
      %and3A_192 = arith.constant 65535 : i32
      %and3A_193 = vector.broadcast %and3A_192 : i32 to vector<16xi32>
      %and3A_194 = arith.andi %get3A_191, %and3A_193 : vector<16xi32>
      %swap3A_195 = arith.constant 0 : i32
      %swap3A_196 = arith.constant 0 : i32
      %swap3A_197 = tpu.memref_slice %arg8[%swap3A_195, %swap3A_196] : memref<2x112xi32, #tpu.memory_space<vmem>> -> memref<1x112xi32, #tpu.memory_space<vmem>>
      %swap3A_198 = tpu.memref_squeeze %swap3A_197 : memref<1x112xi32, #tpu.memory_space<vmem>> -> memref<112xi32, #tpu.memory_space<vmem>>
      %swap3A_199 = arith.constant 96 : index
      %swap3A_200 = tpu.vector_load %swap3A_198[%swap3A_199] {strides = array<i32>} : memref<112xi32, #tpu.memory_space<vmem>>, vector<16xi32>,
      %swap3A_201 = vector.shape_cast %swap3A_200 : vector<16xi32> to vector<16xi32>
      %swap3A_202 = vector.shape_cast %and3A_194 : vector<16xi32> to vector<16xi32>
      tpu.vector_store %swap3A_198[%swap3A_199], %swap3A_202 {strides = array<i32>} : memref<112xi32, #tpu.memory_space<vmem>>, vector<16xi32>,
      %shift_right_arithmetic3A_203 = arith.constant 16 : i32
      %shift_right_arithmetic3A_204 = vector.broadcast %shift_right_arithmetic3A_203 : i32 to vector<16xi32>
      %shift_right_arithmetic3A_205 = arith.shrsi %get3A_191, %shift_right_arithmetic3A_204 : vector<16xi32>
      %swap3A_206 = arith.constant 1 : i32
      %swap3A_207 = arith.constant 0 : i32
      %swap3A_208 = tpu.memref_slice %arg8[%swap3A_206, %swap3A_207] : memref<2x112xi32, #tpu.memory_space<vmem>> -> memref<1x112xi32, #tpu.memory_space<vmem>>
      %swap3A_209 = tpu.memref_squeeze %swap3A_208 : memref<1x112xi32, #tpu.memory_space<vmem>> -> memref<112xi32, #tpu.memory_space<vmem>>
      %swap3A_210 = arith.constant 96 : index
      %swap3A_211 = tpu.vector_load %swap3A_209[%swap3A_210] {strides = array<i32>} : memref<112xi32, #tpu.memory_space<vmem>>, vector<16xi32>,
      %swap3A_212 = vector.shape_cast %swap3A_211 : vector<16xi32> to vector<16xi32>
      %swap3A_213 = vector.shape_cast %shift_right_arithmetic3A_205 : vector<16xi32> to vector<16xi32>
      tpu.vector_store %swap3A_209[%swap3A_210], %swap3A_213 {strides = array<i32>} : memref<112xi32, #tpu.memory_space<vmem>>, vector<16xi32>,
      %dma_start3A = arith.constant 0 : i32
      %dma_start3A_214 = arith.constant 0 : i32
      %dma_start3A_215 = tpu.memref_slice %arg8[%dma_start3A, %dma_start3A_214] : memref<2x112xi32, #tpu.memory_space<vmem>> -> memref<1x112xi32, #tpu.memory_space<vmem>>
      %dma_start3A_216 = tpu.memref_squeeze %dma_start3A_215 : memref<1x112xi32, #tpu.memory_space<vmem>> -> memref<112xi32, #tpu.memory_space<vmem>>
      %dma_start3A_217 = arith.constant 0 : i32
      %dma_start3A_218 = arith.constant 0 : i32
      %dma_start3A_219 = tpu.memref_slice %arg2[%dma_start3A_217, %dma_start3A_218] : memref<10000x128xf32, #tpu.memory_space<hbm>> -> memref<10000x128xf32, #tpu.memory_space<hbm>>
      tpu.enqueue_indirect_dma source(%dma_start3A_219 : memref<10000x128xf32, #tpu.memory_space<hbm>>) target(%arg10 : memref<112x128xf32, #tpu.memory_space<vmem>>) offsets(%dma_start3A_216 : memref<112xi32, #tpu.memory_space<vmem>>) semaphore(%arg13 : memref<!tpu.dma_semaphore, #tpu.memory_space<semaphore_mem>>)
      %scan3A = arith.constant 0 : i32
      %scan3A_220 = arith.constant 74 : i32
      %scan3A_221 = arith.addi %scan3A, %scan3A_220 : i32
      %scan3A_222 = arith.constant 1 : i32
      scf.for %scan3A_230 = %scan3A to %scan3A_221 step %scan3A_222  : i32 {
        %mul3A_231 = arith.constant 2 : i32
        %mul3A_232 = arith.muli %scan3A_230, %mul3A_231 : i32
        %add3A = arith.constant 0 : i32
        %add3A_233 = arith.addi %add3A, %mul3A_232 : i32
        %add3A_234 = arith.constant 1 : i32
        %add3A_235 = arith.addi %add3A_233, %add3A_234 : i32
        %get3A_236 = arith.constant 0 : i32
        %get3A_237 = tpu.memref_slice %arg7[%add3A_235, %get3A_236] : memref<149x112xi32, #tpu.memory_space<vmem>> -> memref<1x112xi32, #tpu.memory_space<vmem>>
        %get3A_238 = tpu.memref_squeeze %get3A_237 : memref<1x112xi32, #tpu.memory_space<vmem>> -> memref<112xi32, #tpu.memory_space<vmem>>
        %get3A_239 = arith.constant 0 : index
        %get3A_240 = tpu.vector_load %get3A_238[%get3A_239] {strides = array<i32>} : memref<112xi32, #tpu.memory_space<vmem>>, vector<16xi32>,
        %get3A_241 = vector.shape_cast %get3A_240 : vector<16xi32> to vector<16xi32>
        %and3A_242 = arith.constant 65535 : i32
        %and3A_243 = vector.broadcast %and3A_242 : i32 to vector<16xi32>
        %and3A_244 = arith.andi %get3A_241, %and3A_243 : vector<16xi32>
        %swap3A_245 = arith.constant 0 : i32
        %swap3A_246 = arith.constant 0 : i32
        %swap3A_247 = tpu.memref_slice %arg9[%swap3A_245, %swap3A_246] : memref<2x112xi32, #tpu.memory_space<vmem>> -> memref<1x112xi32, #tpu.memory_space<vmem>>
        %swap3A_248 = tpu.memref_squeeze %swap3A_247 : memref<1x112xi32, #tpu.memory_space<vmem>> -> memref<112xi32, #tpu.memory_space<vmem>>
        %swap3A_249 = arith.constant 0 : index
        %swap3A_250 = tpu.vector_load %swap3A_248[%swap3A_249] {strides = array<i32>} : memref<112xi32, #tpu.memory_space<vmem>>, vector<16xi32>,
        %swap3A_251 = vector.shape_cast %swap3A_250 : vector<16xi32> to vector<16xi32>
        %swap3A_252 = vector.shape_cast %and3A_244 : vector<16xi32> to vector<16xi32>
        tpu.vector_store %swap3A_248[%swap3A_249], %swap3A_252 {strides = array<i32>} : memref<112xi32, #tpu.memory_space<vmem>>, vector<16xi32>,
        %shift_right_arithmetic3A_253 = arith.constant 16 : i32
        %shift_right_arithmetic3A_254 = vector.broadcast %shift_right_arithmetic3A_253 : i32 to vector<16xi32>
        %shift_right_arithmetic3A_255 = arith.shrsi %get3A_241, %shift_right_arithmetic3A_254 : vector<16xi32>
        %swap3A_256 = arith.constant 1 : i32
        %swap3A_257 = arith.constant 0 : i32
        %swap3A_258 = tpu.memref_slice %arg9[%swap3A_256, %swap3A_257] : memref<2x112xi32, #tpu.memory_space<vmem>> -> memref<1x112xi32, #tpu.memory_space<vmem>>
        %swap3A_259 = tpu.memref_squeeze %swap3A_258 : memref<1x112xi32, #tpu.memory_space<vmem>> -> memref<112xi32, #tpu.memory_space<vmem>>
        %swap3A_260 = arith.constant 0 : index
        %swap3A_261 = tpu.vector_load %swap3A_259[%swap3A_260] {strides = array<i32>} : memref<112xi32, #tpu.memory_space<vmem>>, vector<16xi32>,
        %swap3A_262 = vector.shape_cast %swap3A_261 : vector<16xi32> to vector<16xi32>
        %swap3A_263 = vector.shape_cast %shift_right_arithmetic3A_255 : vector<16xi32> to vector<16xi32>
        tpu.vector_store %swap3A_259[%swap3A_260], %swap3A_263 {strides = array<i32>} : memref<112xi32, #tpu.memory_space<vmem>>, vector<16xi32>,
        %get3A_264 = arith.constant 0 : i32
        %get3A_265 = tpu.memref_slice %arg7[%add3A_235, %get3A_264] : memref<149x112xi32, #tpu.memory_space<vmem>> -> memref<1x112xi32, #tpu.memory_space<vmem>>
        %get3A_266 = tpu.memref_squeeze %get3A_265 : memref<1x112xi32, #tpu.memory_space<vmem>> -> memref<112xi32, #tpu.memory_space<vmem>>
        %get3A_267 = arith.constant 16 : index
        %get3A_268 = tpu.vector_load %get3A_266[%get3A_267] {strides = array<i32>} : memref<112xi32, #tpu.memory_space<vmem>>, vector<16xi32>,
        %get3A_269 = vector.shape_cast %get3A_268 : vector<16xi32> to vector<16xi32>
        %and3A_270 = arith.constant 65535 : i32
        %and3A_271 = vector.broadcast %and3A_270 : i32 to vector<16xi32>
        %and3A_272 = arith.andi %get3A_269, %and3A_271 : vector<16xi32>
        %swap3A_273 = arith.constant 0 : i32
        %swap3A_274 = arith.constant 0 : i32
        %swap3A_275 = tpu.memref_slice %arg9[%swap3A_273, %swap3A_274] : memref<2x112xi32, #tpu.memory_space<vmem>> -> memref<1x112xi32, #tpu.memory_space<vmem>>
        %swap3A_276 = tpu.memref_squeeze %swap3A_275 : memref<1x112xi32, #tpu.memory_space<vmem>> -> memref<112xi32, #tpu.memory_space<vmem>>
        %swap3A_277 = arith.constant 16 : index
        %swap3A_278 = tpu.vector_load %swap3A_276[%swap3A_277] {strides = array<i32>} : memref<112xi32, #tpu.memory_space<vmem>>, vector<16xi32>,
        %swap3A_279 = vector.shape_cast %swap3A_278 : vector<16xi32> to vector<16xi32>
        %swap3A_280 = vector.shape_cast %and3A_272 : vector<16xi32> to vector<16xi32>
        tpu.vector_store %swap3A_276[%swap3A_277], %swap3A_280 {strides = array<i32>} : memref<112xi32, #tpu.memory_space<vmem>>, vector<16xi32>,
        %shift_right_arithmetic3A_281 = arith.constant 16 : i32
        %shift_right_arithmetic3A_282 = vector.broadcast %shift_right_arithmetic3A_281 : i32 to vector<16xi32>
        %shift_right_arithmetic3A_283 = arith.shrsi %get3A_269, %shift_right_arithmetic3A_282 : vector<16xi32>
        %swap3A_284 = arith.constant 1 : i32
        %swap3A_285 = arith.constant 0 : i32
        %swap3A_286 = tpu.memref_slice %arg9[%swap3A_284, %swap3A_285] : memref<2x112xi32, #tpu.memory_space<vmem>> -> memref<1x112xi32, #tpu.memory_space<vmem>>
        %swap3A_287 = tpu.memref_squeeze %swap3A_286 : memref<1x112xi32, #tpu.memory_space<vmem>> -> memref<112xi32, #tpu.memory_space<vmem>>
        %swap3A_288 = arith.constant 16 : index
        %swap3A_289 = tpu.vector_load %swap3A_287[%swap3A_288] {strides = array<i32>} : memref<112xi32, #tpu.memory_space<vmem>>, vector<16xi32>,
        %swap3A_290 = vector.shape_cast %swap3A_289 : vector<16xi32> to vector<16xi32>
        %swap3A_291 = vector.shape_cast %shift_right_arithmetic3A_283 : vector<16xi32> to vector<16xi32>
        tpu.vector_store %swap3A_287[%swap3A_288], %swap3A_291 {strides = array<i32>} : memref<112xi32, #tpu.memory_space<vmem>>, vector<16xi32>,
        %get3A_292 = arith.constant 0 : i32
        %get3A_293 = tpu.memref_slice %arg7[%add3A_235, %get3A_292] : memref<149x112xi32, #tpu.memory_space<vmem>> -> memref<1x112xi32, #tpu.memory_space<vmem>>
        %get3A_294 = tpu.memref_squeeze %get3A_293 : memref<1x112xi32, #tpu.memory_space<vmem>> -> memref<112xi32, #tpu.memory_space<vmem>>
        %get3A_295 = arith.constant 32 : index
        %get3A_296 = tpu.vector_load %get3A_294[%get3A_295] {strides = array<i32>} : memref<112xi32, #tpu.memory_space<vmem>>, vector<16xi32>,
        %get3A_297 = vector.shape_cast %get3A_296 : vector<16xi32> to vector<16xi32>
        %and3A_298 = arith.constant 65535 : i32
        %and3A_299 = vector.broadcast %and3A_298 : i32 to vector<16xi32>
        %and3A_300 = arith.andi %get3A_297, %and3A_299 : vector<16xi32>
        %swap3A_301 = arith.constant 0 : i32
        %swap3A_302 = arith.constant 0 : i32
        %swap3A_303 = tpu.memref_slice %arg9[%swap3A_301, %swap3A_302] : memref<2x112xi32, #tpu.memory_space<vmem>> -> memref<1x112xi32, #tpu.memory_space<vmem>>
        %swap3A_304 = tpu.memref_squeeze %swap3A_303 : memref<1x112xi32, #tpu.memory_space<vmem>> -> memref<112xi32, #tpu.memory_space<vmem>>
        %swap3A_305 = arith.constant 32 : index
        %swap3A_306 = tpu.vector_load %swap3A_304[%swap3A_305] {strides = array<i32>} : memref<112xi32, #tpu.memory_space<vmem>>, vector<16xi32>,
        %swap3A_307 = vector.shape_cast %swap3A_306 : vector<16xi32> to vector<16xi32>
        %swap3A_308 = vector.shape_cast %and3A_300 : vector<16xi32> to vector<16xi32>
        tpu.vector_store %swap3A_304[%swap3A_305], %swap3A_308 {strides = array<i32>} : memref<112xi32, #tpu.memory_space<vmem>>, vector<16xi32>,
        %shift_right_arithmetic3A_309 = arith.constant 16 : i32
        %shift_right_arithmetic3A_310 = vector.broadcast %shift_right_arithmetic3A_309 : i32 to vector<16xi32>
        %shift_right_arithmetic3A_311 = arith.shrsi %get3A_297, %shift_right_arithmetic3A_310 : vector<16xi32>
        %swap3A_312 = arith.constant 1 : i32
        %swap3A_313 = arith.constant 0 : i32
        %swap3A_314 = tpu.memref_slice %arg9[%swap3A_312, %swap3A_313] : memref<2x112xi32, #tpu.memory_space<vmem>> -> memref<1x112xi32, #tpu.memory_space<vmem>>
        %swap3A_315 = tpu.memref_squeeze %swap3A_314 : memref<1x112xi32, #tpu.memory_space<vmem>> -> memref<112xi32, #tpu.memory_space<vmem>>
        %swap3A_316 = arith.constant 32 : index
        %swap3A_317 = tpu.vector_load %swap3A_315[%swap3A_316] {strides = array<i32>} : memref<112xi32, #tpu.memory_space<vmem>>, vector<16xi32>,
        %swap3A_318 = vector.shape_cast %swap3A_317 : vector<16xi32> to vector<16xi32>
        %swap3A_319 = vector.shape_cast %shift_right_arithmetic3A_311 : vector<16xi32> to vector<16xi32>
        tpu.vector_store %swap3A_315[%swap3A_316], %swap3A_319 {strides = array<i32>} : memref<112xi32, #tpu.memory_space<vmem>>, vector<16xi32>,
        %get3A_320 = arith.constant 0 : i32
        %get3A_321 = tpu.memref_slice %arg7[%add3A_235, %get3A_320] : memref<149x112xi32, #tpu.memory_space<vmem>> -> memref<1x112xi32, #tpu.memory_space<vmem>>
        %get3A_322 = tpu.memref_squeeze %get3A_321 : memref<1x112xi32, #tpu.memory_space<vmem>> -> memref<112xi32, #tpu.memory_space<vmem>>
        %get3A_323 = arith.constant 48 : index
        %get3A_324 = tpu.vector_load %get3A_322[%get3A_323] {strides = array<i32>} : memref<112xi32, #tpu.memory_space<vmem>>, vector<16xi32>,
        %get3A_325 = vector.shape_cast %get3A_324 : vector<16xi32> to vector<16xi32>
        %and3A_326 = arith.constant 65535 : i32
        %and3A_327 = vector.broadcast %and3A_326 : i32 to vector<16xi32>
        %and3A_328 = arith.andi %get3A_325, %and3A_327 : vector<16xi32>
        %swap3A_329 = arith.constant 0 : i32
        %swap3A_330 = arith.constant 0 : i32
        %swap3A_331 = tpu.memref_slice %arg9[%swap3A_329, %swap3A_330] : memref<2x112xi32, #tpu.memory_space<vmem>> -> memref<1x112xi32, #tpu.memory_space<vmem>>
        %swap3A_332 = tpu.memref_squeeze %swap3A_331 : memref<1x112xi32, #tpu.memory_space<vmem>> -> memref<112xi32, #tpu.memory_space<vmem>>
        %swap3A_333 = arith.constant 48 : index
        %swap3A_334 = tpu.vector_load %swap3A_332[%swap3A_333] {strides = array<i32>} : memref<112xi32, #tpu.memory_space<vmem>>, vector<16xi32>,
        %swap3A_335 = vector.shape_cast %swap3A_334 : vector<16xi32> to vector<16xi32>
        %swap3A_336 = vector.shape_cast %and3A_328 : vector<16xi32> to vector<16xi32>
        tpu.vector_store %swap3A_332[%swap3A_333], %swap3A_336 {strides = array<i32>} : memref<112xi32, #tpu.memory_space<vmem>>, vector<16xi32>,
        %shift_right_arithmetic3A_337 = arith.constant 16 : i32
        %shift_right_arithmetic3A_338 = vector.broadcast %shift_right_arithmetic3A_337 : i32 to vector<16xi32>
        %shift_right_arithmetic3A_339 = arith.shrsi %get3A_325, %shift_right_arithmetic3A_338 : vector<16xi32>
        %swap3A_340 = arith.constant 1 : i32
        %swap3A_341 = arith.constant 0 : i32
        %swap3A_342 = tpu.memref_slice %arg9[%swap3A_340, %swap3A_341] : memref<2x112xi32, #tpu.memory_space<vmem>> -> memref<1x112xi32, #tpu.memory_space<vmem>>
        %swap3A_343 = tpu.memref_squeeze %swap3A_342 : memref<1x112xi32, #tpu.memory_space<vmem>> -> memref<112xi32, #tpu.memory_space<vmem>>
        %swap3A_344 = arith.constant 48 : index
        %swap3A_345 = tpu.vector_load %swap3A_343[%swap3A_344] {strides = array<i32>} : memref<112xi32, #tpu.memory_space<vmem>>, vector<16xi32>,
        %swap3A_346 = vector.shape_cast %swap3A_345 : vector<16xi32> to vector<16xi32>
        %swap3A_347 = vector.shape_cast %shift_right_arithmetic3A_339 : vector<16xi32> to vector<16xi32>
        tpu.vector_store %swap3A_343[%swap3A_344], %swap3A_347 {strides = array<i32>} : memref<112xi32, #tpu.memory_space<vmem>>, vector<16xi32>,
        %get3A_348 = arith.constant 0 : i32
        %get3A_349 = tpu.memref_slice %arg7[%add3A_235, %get3A_348] : memref<149x112xi32, #tpu.memory_space<vmem>> -> memref<1x112xi32, #tpu.memory_space<vmem>>
        %get3A_350 = tpu.memref_squeeze %get3A_349 : memref<1x112xi32, #tpu.memory_space<vmem>> -> memref<112xi32, #tpu.memory_space<vmem>>
        %get3A_351 = arith.constant 64 : index
        %get3A_352 = tpu.vector_load %get3A_350[%get3A_351] {strides = array<i32>} : memref<112xi32, #tpu.memory_space<vmem>>, vector<16xi32>,
        %get3A_353 = vector.shape_cast %get3A_352 : vector<16xi32> to vector<16xi32>
        %and3A_354 = arith.constant 65535 : i32
        %and3A_355 = vector.broadcast %and3A_354 : i32 to vector<16xi32>
        %and3A_356 = arith.andi %get3A_353, %and3A_355 : vector<16xi32>
        %swap3A_357 = arith.constant 0 : i32
        %swap3A_358 = arith.constant 0 : i32
        %swap3A_359 = tpu.memref_slice %arg9[%swap3A_357, %swap3A_358] : memref<2x112xi32, #tpu.memory_space<vmem>> -> memref<1x112xi32, #tpu.memory_space<vmem>>
        %swap3A_360 = tpu.memref_squeeze %swap3A_359 : memref<1x112xi32, #tpu.memory_space<vmem>> -> memref<112xi32, #tpu.memory_space<vmem>>
        %swap3A_361 = arith.constant 64 : index
        %swap3A_362 = tpu.vector_load %swap3A_360[%swap3A_361] {strides = array<i32>} : memref<112xi32, #tpu.memory_space<vmem>>, vector<16xi32>,
        %swap3A_363 = vector.shape_cast %swap3A_362 : vector<16xi32> to vector<16xi32>
        %swap3A_364 = vector.shape_cast %and3A_356 : vector<16xi32> to vector<16xi32>
        tpu.vector_store %swap3A_360[%swap3A_361], %swap3A_364 {strides = array<i32>} : memref<112xi32, #tpu.memory_space<vmem>>, vector<16xi32>,
        %shift_right_arithmetic3A_365 = arith.constant 16 : i32
        %shift_right_arithmetic3A_366 = vector.broadcast %shift_right_arithmetic3A_365 : i32 to vector<16xi32>
        %shift_right_arithmetic3A_367 = arith.shrsi %get3A_353, %shift_right_arithmetic3A_366 : vector<16xi32>
        %swap3A_368 = arith.constant 1 : i32
        %swap3A_369 = arith.constant 0 : i32
        %swap3A_370 = tpu.memref_slice %arg9[%swap3A_368, %swap3A_369] : memref<2x112xi32, #tpu.memory_space<vmem>> -> memref<1x112xi32, #tpu.memory_space<vmem>>
        %swap3A_371 = tpu.memref_squeeze %swap3A_370 : memref<1x112xi32, #tpu.memory_space<vmem>> -> memref<112xi32, #tpu.memory_space<vmem>>
        %swap3A_372 = arith.constant 64 : index
        %swap3A_373 = tpu.vector_load %swap3A_371[%swap3A_372] {strides = array<i32>} : memref<112xi32, #tpu.memory_space<vmem>>, vector<16xi32>,
        %swap3A_374 = vector.shape_cast %swap3A_373 : vector<16xi32> to vector<16xi32>
        %swap3A_375 = vector.shape_cast %shift_right_arithmetic3A_367 : vector<16xi32> to vector<16xi32>
        tpu.vector_store %swap3A_371[%swap3A_372], %swap3A_375 {strides = array<i32>} : memref<112xi32, #tpu.memory_space<vmem>>, vector<16xi32>,
        %get3A_376 = arith.constant 0 : i32
        %get3A_377 = tpu.memref_slice %arg7[%add3A_235, %get3A_376] : memref<149x112xi32, #tpu.memory_space<vmem>> -> memref<1x112xi32, #tpu.memory_space<vmem>>
        %get3A_378 = tpu.memref_squeeze %get3A_377 : memref<1x112xi32, #tpu.memory_space<vmem>> -> memref<112xi32, #tpu.memory_space<vmem>>
        %get3A_379 = arith.constant 80 : index
        %get3A_380 = tpu.vector_load %get3A_378[%get3A_379] {strides = array<i32>} : memref<112xi32, #tpu.memory_space<vmem>>, vector<16xi32>,
        %get3A_381 = vector.shape_cast %get3A_380 : vector<16xi32> to vector<16xi32>
        %and3A_382 = arith.constant 65535 : i32
        %and3A_383 = vector.broadcast %and3A_382 : i32 to vector<16xi32>
        %and3A_384 = arith.andi %get3A_381, %and3A_383 : vector<16xi32>
        %swap3A_385 = arith.constant 0 : i32
        %swap3A_386 = arith.constant 0 : i32
        %swap3A_387 = tpu.memref_slice %arg9[%swap3A_385, %swap3A_386] : memref<2x112xi32, #tpu.memory_space<vmem>> -> memref<1x112xi32, #tpu.memory_space<vmem>>
        %swap3A_388 = tpu.memref_squeeze %swap3A_387 : memref<1x112xi32, #tpu.memory_space<vmem>> -> memref<112xi32, #tpu.memory_space<vmem>>
        %swap3A_389 = arith.constant 80 : index
        %swap3A_390 = tpu.vector_load %swap3A_388[%swap3A_389] {strides = array<i32>} : memref<112xi32, #tpu.memory_space<vmem>>, vector<16xi32>,
        %swap3A_391 = vector.shape_cast %swap3A_390 : vector<16xi32> to vector<16xi32>
        %swap3A_392 = vector.shape_cast %and3A_384 : vector<16xi32> to vector<16xi32>
        tpu.vector_store %swap3A_388[%swap3A_389], %swap3A_392 {strides = array<i32>} : memref<112xi32, #tpu.memory_space<vmem>>, vector<16xi32>,
        %shift_right_arithmetic3A_393 = arith.constant 16 : i32
        %shift_right_arithmetic3A_394 = vector.broadcast %shift_right_arithmetic3A_393 : i32 to vector<16xi32>
        %shift_right_arithmetic3A_395 = arith.shrsi %get3A_381, %shift_right_arithmetic3A_394 : vector<16xi32>
        %swap3A_396 = arith.constant 1 : i32
        %swap3A_397 = arith.constant 0 : i32
        %swap3A_398 = tpu.memref_slice %arg9[%swap3A_396, %swap3A_397] : memref<2x112xi32, #tpu.memory_space<vmem>> -> memref<1x112xi32, #tpu.memory_space<vmem>>
        %swap3A_399 = tpu.memref_squeeze %swap3A_398 : memref<1x112xi32, #tpu.memory_space<vmem>> -> memref<112xi32, #tpu.memory_space<vmem>>
        %swap3A_400 = arith.constant 80 : index
        %swap3A_401 = tpu.vector_load %swap3A_399[%swap3A_400] {strides = array<i32>} : memref<112xi32, #tpu.memory_space<vmem>>, vector<16xi32>,
        %swap3A_402 = vector.shape_cast %swap3A_401 : vector<16xi32> to vector<16xi32>
        %swap3A_403 = vector.shape_cast %shift_right_arithmetic3A_395 : vector<16xi32> to vector<16xi32>
        tpu.vector_store %swap3A_399[%swap3A_400], %swap3A_403 {strides = array<i32>} : memref<112xi32, #tpu.memory_space<vmem>>, vector<16xi32>,
        %get3A_404 = arith.constant 0 : i32
        %get3A_405 = tpu.memref_slice %arg7[%add3A_235, %get3A_404] : memref<149x112xi32, #tpu.memory_space<vmem>> -> memref<1x112xi32, #tpu.memory_space<vmem>>
        %get3A_406 = tpu.memref_squeeze %get3A_405 : memref<1x112xi32, #tpu.memory_space<vmem>> -> memref<112xi32, #tpu.memory_space<vmem>>
        %get3A_407 = arith.constant 96 : index
        %get3A_408 = tpu.vector_load %get3A_406[%get3A_407] {strides = array<i32>} : memref<112xi32, #tpu.memory_space<vmem>>, vector<16xi32>,
        %get3A_409 = vector.shape_cast %get3A_408 : vector<16xi32> to vector<16xi32>
        %and3A_410 = arith.constant 65535 : i32
        %and3A_411 = vector.broadcast %and3A_410 : i32 to vector<16xi32>
        %and3A_412 = arith.andi %get3A_409, %and3A_411 : vector<16xi32>
        %swap3A_413 = arith.constant 0 : i32
        %swap3A_414 = arith.constant 0 : i32
        %swap3A_415 = tpu.memref_slice %arg9[%swap3A_413, %swap3A_414] : memref<2x112xi32, #tpu.memory_space<vmem>> -> memref<1x112xi32, #tpu.memory_space<vmem>>
        %swap3A_416 = tpu.memref_squeeze %swap3A_415 : memref<1x112xi32, #tpu.memory_space<vmem>> -> memref<112xi32, #tpu.memory_space<vmem>>
        %swap3A_417 = arith.constant 96 : index
        %swap3A_418 = tpu.vector_load %swap3A_416[%swap3A_417] {strides = array<i32>} : memref<112xi32, #tpu.memory_space<vmem>>, vector<16xi32>,
        %swap3A_419 = vector.shape_cast %swap3A_418 : vector<16xi32> to vector<16xi32>
        %swap3A_420 = vector.shape_cast %and3A_412 : vector<16xi32> to vector<16xi32>
        tpu.vector_store %swap3A_416[%swap3A_417], %swap3A_420 {strides = array<i32>} : memref<112xi32, #tpu.memory_space<vmem>>, vector<16xi32>,
        %shift_right_arithmetic3A_421 = arith.constant 16 : i32
        %shift_right_arithmetic3A_422 = vector.broadcast %shift_right_arithmetic3A_421 : i32 to vector<16xi32>
        %shift_right_arithmetic3A_423 = arith.shrsi %get3A_409, %shift_right_arithmetic3A_422 : vector<16xi32>
        %swap3A_424 = arith.constant 1 : i32
        %swap3A_425 = arith.constant 0 : i32
        %swap3A_426 = tpu.memref_slice %arg9[%swap3A_424, %swap3A_425] : memref<2x112xi32, #tpu.memory_space<vmem>> -> memref<1x112xi32, #tpu.memory_space<vmem>>
        %swap3A_427 = tpu.memref_squeeze %swap3A_426 : memref<1x112xi32, #tpu.memory_space<vmem>> -> memref<112xi32, #tpu.memory_space<vmem>>
        %swap3A_428 = arith.constant 96 : index
        %swap3A_429 = tpu.vector_load %swap3A_427[%swap3A_428] {strides = array<i32>} : memref<112xi32, #tpu.memory_space<vmem>>, vector<16xi32>,
        %swap3A_430 = vector.shape_cast %swap3A_429 : vector<16xi32> to vector<16xi32>
        %swap3A_431 = vector.shape_cast %shift_right_arithmetic3A_423 : vector<16xi32> to vector<16xi32>
        tpu.vector_store %swap3A_427[%swap3A_428], %swap3A_431 {strides = array<i32>} : memref<112xi32, #tpu.memory_space<vmem>>, vector<16xi32>,
        %dma_start3A_432 = arith.constant 0 : i32
        %dma_start3A_433 = arith.constant 0 : i32
        %dma_start3A_434 = tpu.memref_slice %arg9[%dma_start3A_432, %dma_start3A_433] : memref<2x112xi32, #tpu.memory_space<vmem>> -> memref<1x112xi32, #tpu.memory_space<vmem>>
        %dma_start3A_435 = tpu.memref_squeeze %dma_start3A_434 : memref<1x112xi32, #tpu.memory_space<vmem>> -> memref<112xi32, #tpu.memory_space<vmem>>
        %dma_start3A_436 = arith.constant 0 : i32
        %dma_start3A_437 = arith.constant 0 : i32
        %dma_start3A_438 = tpu.memref_slice %arg2[%dma_start3A_436, %dma_start3A_437] : memref<10000x128xf32, #tpu.memory_space<hbm>> -> memref<10000x128xf32, #tpu.memory_space<hbm>>
        tpu.enqueue_indirect_dma source(%dma_start3A_438 : memref<10000x128xf32, #tpu.memory_space<hbm>>) target(%arg11 : memref<112x128xf32, #tpu.memory_space<vmem>>) offsets(%dma_start3A_435 : memref<112xi32, #tpu.memory_space<vmem>>) semaphore(%arg14 : memref<!tpu.dma_semaphore, #tpu.memory_space<semaphore_mem>>)
        %dma_wait3A_439 = arith.constant 0 : i32
        %dma_wait3A_440 = arith.constant 0 : i32
        %dma_wait3A_441 = tpu.memref_slice %arg8[%dma_wait3A_439, %dma_wait3A_440] : memref<2x112xi32, #tpu.memory_space<vmem>> -> memref<1x112xi32, #tpu.memory_space<vmem>>
        %dma_wait3A_442 = tpu.memref_squeeze %dma_wait3A_441 : memref<1x112xi32, #tpu.memory_space<vmem>> -> memref<112xi32, #tpu.memory_space<vmem>>
        %dma_wait3A_443 = arith.constant 0 : i32
        %dma_wait3A_444 = arith.constant 0 : i32
        %dma_wait3A_445 = tpu.memref_slice %arg2[%dma_wait3A_443, %dma_wait3A_444] : memref<10000x128xf32, #tpu.memory_space<hbm>> -> memref<10000x128xf32, #tpu.memory_space<hbm>>
        tpu.wait_indirect_dma semaphore(%arg13 : memref<!tpu.dma_semaphore, #tpu.memory_space<semaphore_mem>>) src(%dma_wait3A_445 : memref<10000x128xf32, #tpu.memory_space<hbm>>) dst(%arg10 : memref<112x128xf32, #tpu.memory_space<vmem>>)
        %run_scoped3A_446 = arith.constant 1 : i32
        "tpu.region"() ({
          %run_scoped3A_660 = tpu.sem_alloc : memref<!tpu.dma_semaphore, #tpu.memory_space<semaphore_mem>>
          %dma_start3A_661 = arith.constant 0 : i32
          %dma_start3A_662 = tpu.memref_slice %arg8[%run_scoped3A_446, %dma_start3A_661] : memref<2x112xi32, #tpu.memory_space<vmem>> -> memref<1x112xi32, #tpu.memory_space<vmem>>
          %dma_start3A_663 = tpu.memref_squeeze %dma_start3A_662 : memref<1x112xi32, #tpu.memory_space<vmem>> -> memref<112xi32, #tpu.memory_space<vmem>>
          %dma_start3A_664 = arith.constant 0 : i32
          %dma_start3A_665 = arith.constant 0 : i32
          %dma_start3A_666 = tpu.memref_slice %arg12[%dma_start3A_664, %dma_start3A_665] : memref<10112x128xf32, #tpu.memory_space<vmem_shared>> -> memref<10112x128xf32, #tpu.memory_space<vmem_shared>>
          tpu.enqueue_indirect_dma source(%arg10 : memref<112x128xf32, #tpu.memory_space<vmem>>) target(%dma_start3A_666 : memref<10112x128xf32, #tpu.memory_space<vmem_shared>>) offsets(%dma_start3A_663 : memref<112xi32, #tpu.memory_space<vmem>>) semaphore(%run_scoped3A_660 : memref<!tpu.dma_semaphore, #tpu.memory_space<semaphore_mem>>) {add = true}
          %dma_wait3A_667 = arith.constant 0 : i32
          %dma_wait3A_668 = tpu.memref_slice %arg8[%run_scoped3A_446, %dma_wait3A_667] : memref<2x112xi32, #tpu.memory_space<vmem>> -> memref<1x112xi32, #tpu.memory_space<vmem>>
          %dma_wait3A_669 = tpu.memref_squeeze %dma_wait3A_668 : memref<1x112xi32, #tpu.memory_space<vmem>> -> memref<112xi32, #tpu.memory_space<vmem>>
          %dma_wait3A_670 = arith.constant 0 : i32
          %dma_wait3A_671 = arith.constant 0 : i32
          %dma_wait3A_672 = tpu.memref_slice %arg12[%dma_wait3A_670, %dma_wait3A_671] : memref<10112x128xf32, #tpu.memory_space<vmem_shared>> -> memref<10112x128xf32, #tpu.memory_space<vmem_shared>>
          tpu.wait_indirect_dma semaphore(%run_scoped3A_660 : memref<!tpu.dma_semaphore, #tpu.memory_space<semaphore_mem>>) src(%arg10 : memref<112x128xf32, #tpu.memory_space<vmem>>) dst(%dma_wait3A_672 : memref<10112x128xf32, #tpu.memory_space<vmem_shared>>)
          tpu.yield
        }) : () -> ()
        %add3A_447 = arith.constant 2 : i32
        %add3A_448 = arith.addi %add3A_233, %add3A_447 : i32
        %get3A_449 = arith.constant 0 : i32
        %get3A_450 = tpu.memref_slice %arg7[%add3A_448, %get3A_449] : memref<149x112xi32, #tpu.memory_space<vmem>> -> memref<1x112xi32, #tpu.memory_space<vmem>>
        %get3A_451 = tpu.memref_squeeze %get3A_450 : memref<1x112xi32, #tpu.memory_space<vmem>> -> memref<112xi32, #tpu.memory_space<vmem>>
        %get3A_452 = arith.constant 0 : index
        %get3A_453 = tpu.vector_load %get3A_451[%get3A_452] {strides = array<i32>} : memref<112xi32, #tpu.memory_space<vmem>>, vector<16xi32>,
        %get3A_454 = vector.shape_cast %get3A_453 : vector<16xi32> to vector<16xi32>
        %and3A_455 = arith.constant 65535 : i32
        %and3A_456 = vector.broadcast %and3A_455 : i32 to vector<16xi32>
        %and3A_457 = arith.andi %get3A_454, %and3A_456 : vector<16xi32>
        %swap3A_458 = arith.constant 0 : i32
        %swap3A_459 = arith.constant 0 : i32
        %swap3A_460 = tpu.memref_slice %arg8[%swap3A_458, %swap3A_459] : memref<2x112xi32, #tpu.memory_space<vmem>> -> memref<1x112xi32, #tpu.memory_space<vmem>>
        %swap3A_461 = tpu.memref_squeeze %swap3A_460 : memref<1x112xi32, #tpu.memory_space<vmem>> -> memref<112xi32, #tpu.memory_space<vmem>>
        %swap3A_462 = arith.constant 0 : index
        %swap3A_463 = tpu.vector_load %swap3A_461[%swap3A_462] {strides = array<i32>} : memref<112xi32, #tpu.memory_space<vmem>>, vector<16xi32>,
        %swap3A_464 = vector.shape_cast %swap3A_463 : vector<16xi32> to vector<16xi32>
        %swap3A_465 = vector.shape_cast %and3A_457 : vector<16xi32> to vector<16xi32>
        tpu.vector_store %swap3A_461[%swap3A_462], %swap3A_465 {strides = array<i32>} : memref<112xi32, #tpu.memory_space<vmem>>, vector<16xi32>,
        %shift_right_arithmetic3A_466 = arith.constant 16 : i32
        %shift_right_arithmetic3A_467 = vector.broadcast %shift_right_arithmetic3A_466 : i32 to vector<16xi32>
        %shift_right_arithmetic3A_468 = arith.shrsi %get3A_454, %shift_right_arithmetic3A_467 : vector<16xi32>
        %swap3A_469 = arith.constant 1 : i32
        %swap3A_470 = arith.constant 0 : i32
        %swap3A_471 = tpu.memref_slice %arg8[%swap3A_469, %swap3A_470] : memref<2x112xi32, #tpu.memory_space<vmem>> -> memref<1x112xi32, #tpu.memory_space<vmem>>
        %swap3A_472 = tpu.memref_squeeze %swap3A_471 : memref<1x112xi32, #tpu.memory_space<vmem>> -> memref<112xi32, #tpu.memory_space<vmem>>
        %swap3A_473 = arith.constant 0 : index
        %swap3A_474 = tpu.vector_load %swap3A_472[%swap3A_473] {strides = array<i32>} : memref<112xi32, #tpu.memory_space<vmem>>, vector<16xi32>,
        %swap3A_475 = vector.shape_cast %swap3A_474 : vector<16xi32> to vector<16xi32>
        %swap3A_476 = vector.shape_cast %shift_right_arithmetic3A_468 : vector<16xi32> to vector<16xi32>
        tpu.vector_store %swap3A_472[%swap3A_473], %swap3A_476 {strides = array<i32>} : memref<112xi32, #tpu.memory_space<vmem>>, vector<16xi32>,
        %get3A_477 = arith.constant 0 : i32
        %get3A_478 = tpu.memref_slice %arg7[%add3A_448, %get3A_477] : memref<149x112xi32, #tpu.memory_space<vmem>> -> memref<1x112xi32, #tpu.memory_space<vmem>>
        %get3A_479 = tpu.memref_squeeze %get3A_478 : memref<1x112xi32, #tpu.memory_space<vmem>> -> memref<112xi32, #tpu.memory_space<vmem>>
        %get3A_480 = arith.constant 16 : index
        %get3A_481 = tpu.vector_load %get3A_479[%get3A_480] {strides = array<i32>} : memref<112xi32, #tpu.memory_space<vmem>>, vector<16xi32>,
        %get3A_482 = vector.shape_cast %get3A_481 : vector<16xi32> to vector<16xi32>
        %and3A_483 = arith.constant 65535 : i32
        %and3A_484 = vector.broadcast %and3A_483 : i32 to vector<16xi32>
        %and3A_485 = arith.andi %get3A_482, %and3A_484 : vector<16xi32>
        %swap3A_486 = arith.constant 0 : i32
        %swap3A_487 = arith.constant 0 : i32
        %swap3A_488 = tpu.memref_slice %arg8[%swap3A_486, %swap3A_487] : memref<2x112xi32, #tpu.memory_space<vmem>> -> memref<1x112xi32, #tpu.memory_space<vmem>>
        %swap3A_489 = tpu.memref_squeeze %swap3A_488 : memref<1x112xi32, #tpu.memory_space<vmem>> -> memref<112xi32, #tpu.memory_space<vmem>>
        %swap3A_490 = arith.constant 16 : index
        %swap3A_491 = tpu.vector_load %swap3A_489[%swap3A_490] {strides = array<i32>} : memref<112xi32, #tpu.memory_space<vmem>>, vector<16xi32>,
        %swap3A_492 = vector.shape_cast %swap3A_491 : vector<16xi32> to vector<16xi32>
        %swap3A_493 = vector.shape_cast %and3A_485 : vector<16xi32> to vector<16xi32>
        tpu.vector_store %swap3A_489[%swap3A_490], %swap3A_493 {strides = array<i32>} : memref<112xi32, #tpu.memory_space<vmem>>, vector<16xi32>,
        %shift_right_arithmetic3A_494 = arith.constant 16 : i32
        %shift_right_arithmetic3A_495 = vector.broadcast %shift_right_arithmetic3A_494 : i32 to vector<16xi32>
        %shift_right_arithmetic3A_496 = arith.shrsi %get3A_482, %shift_right_arithmetic3A_495 : vector<16xi32>
        %swap3A_497 = arith.constant 1 : i32
        %swap3A_498 = arith.constant 0 : i32
        %swap3A_499 = tpu.memref_slice %arg8[%swap3A_497, %swap3A_498] : memref<2x112xi32, #tpu.memory_space<vmem>> -> memref<1x112xi32, #tpu.memory_space<vmem>>
        %swap3A_500 = tpu.memref_squeeze %swap3A_499 : memref<1x112xi32, #tpu.memory_space<vmem>> -> memref<112xi32, #tpu.memory_space<vmem>>
        %swap3A_501 = arith.constant 16 : index
        %swap3A_502 = tpu.vector_load %swap3A_500[%swap3A_501] {strides = array<i32>} : memref<112xi32, #tpu.memory_space<vmem>>, vector<16xi32>,
        %swap3A_503 = vector.shape_cast %swap3A_502 : vector<16xi32> to vector<16xi32>
        %swap3A_504 = vector.shape_cast %shift_right_arithmetic3A_496 : vector<16xi32> to vector<16xi32>
        tpu.vector_store %swap3A_500[%swap3A_501], %swap3A_504 {strides = array<i32>} : memref<112xi32, #tpu.memory_space<vmem>>, vector<16xi32>,
        %get3A_505 = arith.constant 0 : i32
        %get3A_506 = tpu.memref_slice %arg7[%add3A_448, %get3A_505] : memref<149x112xi32, #tpu.memory_space<vmem>> -> memref<1x112xi32, #tpu.memory_space<vmem>>
        %get3A_507 = tpu.memref_squeeze %get3A_506 : memref<1x112xi32, #tpu.memory_space<vmem>> -> memref<112xi32, #tpu.memory_space<vmem>>
        %get3A_508 = arith.constant 32 : index
        %get3A_509 = tpu.vector_load %get3A_507[%get3A_508] {strides = array<i32>} : memref<112xi32, #tpu.memory_space<vmem>>, vector<16xi32>,
        %get3A_510 = vector.shape_cast %get3A_509 : vector<16xi32> to vector<16xi32>
        %and3A_511 = arith.constant 65535 : i32
        %and3A_512 = vector.broadcast %and3A_511 : i32 to vector<16xi32>
        %and3A_513 = arith.andi %get3A_510, %and3A_512 : vector<16xi32>
        %swap3A_514 = arith.constant 0 : i32
        %swap3A_515 = arith.constant 0 : i32
        %swap3A_516 = tpu.memref_slice %arg8[%swap3A_514, %swap3A_515] : memref<2x112xi32, #tpu.memory_space<vmem>> -> memref<1x112xi32, #tpu.memory_space<vmem>>
        %swap3A_517 = tpu.memref_squeeze %swap3A_516 : memref<1x112xi32, #tpu.memory_space<vmem>> -> memref<112xi32, #tpu.memory_space<vmem>>
        %swap3A_518 = arith.constant 32 : index
        %swap3A_519 = tpu.vector_load %swap3A_517[%swap3A_518] {strides = array<i32>} : memref<112xi32, #tpu.memory_space<vmem>>, vector<16xi32>,
        %swap3A_520 = vector.shape_cast %swap3A_519 : vector<16xi32> to vector<16xi32>
        %swap3A_521 = vector.shape_cast %and3A_513 : vector<16xi32> to vector<16xi32>
        tpu.vector_store %swap3A_517[%swap3A_518], %swap3A_521 {strides = array<i32>} : memref<112xi32, #tpu.memory_space<vmem>>, vector<16xi32>,
        %shift_right_arithmetic3A_522 = arith.constant 16 : i32
        %shift_right_arithmetic3A_523 = vector.broadcast %shift_right_arithmetic3A_522 : i32 to vector<16xi32>
        %shift_right_arithmetic3A_524 = arith.shrsi %get3A_510, %shift_right_arithmetic3A_523 : vector<16xi32>
        %swap3A_525 = arith.constant 1 : i32
        %swap3A_526 = arith.constant 0 : i32
        %swap3A_527 = tpu.memref_slice %arg8[%swap3A_525, %swap3A_526] : memref<2x112xi32, #tpu.memory_space<vmem>> -> memref<1x112xi32, #tpu.memory_space<vmem>>
        %swap3A_528 = tpu.memref_squeeze %swap3A_527 : memref<1x112xi32, #tpu.memory_space<vmem>> -> memref<112xi32, #tpu.memory_space<vmem>>
        %swap3A_529 = arith.constant 32 : index
        %swap3A_530 = tpu.vector_load %swap3A_528[%swap3A_529] {strides = array<i32>} : memref<112xi32, #tpu.memory_space<vmem>>, vector<16xi32>,
        %swap3A_531 = vector.shape_cast %swap3A_530 : vector<16xi32> to vector<16xi32>
        %swap3A_532 = vector.shape_cast %shift_right_arithmetic3A_524 : vector<16xi32> to vector<16xi32>
        tpu.vector_store %swap3A_528[%swap3A_529], %swap3A_532 {strides = array<i32>} : memref<112xi32, #tpu.memory_space<vmem>>, vector<16xi32>,
        %get3A_533 = arith.constant 0 : i32
        %get3A_534 = tpu.memref_slice %arg7[%add3A_448, %get3A_533] : memref<149x112xi32, #tpu.memory_space<vmem>> -> memref<1x112xi32, #tpu.memory_space<vmem>>
        %get3A_535 = tpu.memref_squeeze %get3A_534 : memref<1x112xi32, #tpu.memory_space<vmem>> -> memref<112xi32, #tpu.memory_space<vmem>>
        %get3A_536 = arith.constant 48 : index
        %get3A_537 = tpu.vector_load %get3A_535[%get3A_536] {strides = array<i32>} : memref<112xi32, #tpu.memory_space<vmem>>, vector<16xi32>,
        %get3A_538 = vector.shape_cast %get3A_537 : vector<16xi32> to vector<16xi32>
        %and3A_539 = arith.constant 65535 : i32
        %and3A_540 = vector.broadcast %and3A_539 : i32 to vector<16xi32>
        %and3A_541 = arith.andi %get3A_538, %and3A_540 : vector<16xi32>
        %swap3A_542 = arith.constant 0 : i32
        %swap3A_543 = arith.constant 0 : i32
        %swap3A_544 = tpu.memref_slice %arg8[%swap3A_542, %swap3A_543] : memref<2x112xi32, #tpu.memory_space<vmem>> -> memref<1x112xi32, #tpu.memory_space<vmem>>
        %swap3A_545 = tpu.memref_squeeze %swap3A_544 : memref<1x112xi32, #tpu.memory_space<vmem>> -> memref<112xi32, #tpu.memory_space<vmem>>
        %swap3A_546 = arith.constant 48 : index
        %swap3A_547 = tpu.vector_load %swap3A_545[%swap3A_546] {strides = array<i32>} : memref<112xi32, #tpu.memory_space<vmem>>, vector<16xi32>,
        %swap3A_548 = vector.shape_cast %swap3A_547 : vector<16xi32> to vector<16xi32>
        %swap3A_549 = vector.shape_cast %and3A_541 : vector<16xi32> to vector<16xi32>
        tpu.vector_store %swap3A_545[%swap3A_546], %swap3A_549 {strides = array<i32>} : memref<112xi32, #tpu.memory_space<vmem>>, vector<16xi32>,
        %shift_right_arithmetic3A_550 = arith.constant 16 : i32
        %shift_right_arithmetic3A_551 = vector.broadcast %shift_right_arithmetic3A_550 : i32 to vector<16xi32>
        %shift_right_arithmetic3A_552 = arith.shrsi %get3A_538, %shift_right_arithmetic3A_551 : vector<16xi32>
        %swap3A_553 = arith.constant 1 : i32
        %swap3A_554 = arith.constant 0 : i32
        %swap3A_555 = tpu.memref_slice %arg8[%swap3A_553, %swap3A_554] : memref<2x112xi32, #tpu.memory_space<vmem>> -> memref<1x112xi32, #tpu.memory_space<vmem>>
        %swap3A_556 = tpu.memref_squeeze %swap3A_555 : memref<1x112xi32, #tpu.memory_space<vmem>> -> memref<112xi32, #tpu.memory_space<vmem>>
        %swap3A_557 = arith.constant 48 : index
        %swap3A_558 = tpu.vector_load %swap3A_556[%swap3A_557] {strides = array<i32>} : memref<112xi32, #tpu.memory_space<vmem>>, vector<16xi32>,
        %swap3A_559 = vector.shape_cast %swap3A_558 : vector<16xi32> to vector<16xi32>
        %swap3A_560 = vector.shape_cast %shift_right_arithmetic3A_552 : vector<16xi32> to vector<16xi32>
        tpu.vector_store %swap3A_556[%swap3A_557], %swap3A_560 {strides = array<i32>} : memref<112xi32, #tpu.memory_space<vmem>>, vector<16xi32>,
        %get3A_561 = arith.constant 0 : i32
        %get3A_562 = tpu.memref_slice %arg7[%add3A_448, %get3A_561] : memref<149x112xi32, #tpu.memory_space<vmem>> -> memref<1x112xi32, #tpu.memory_space<vmem>>
        %get3A_563 = tpu.memref_squeeze %get3A_562 : memref<1x112xi32, #tpu.memory_space<vmem>> -> memref<112xi32, #tpu.memory_space<vmem>>
        %get3A_564 = arith.constant 64 : index
        %get3A_565 = tpu.vector_load %get3A_563[%get3A_564] {strides = array<i32>} : memref<112xi32, #tpu.memory_space<vmem>>, vector<16xi32>,
        %get3A_566 = vector.shape_cast %get3A_565 : vector<16xi32> to vector<16xi32>
        %and3A_567 = arith.constant 65535 : i32
        %and3A_568 = vector.broadcast %and3A_567 : i32 to vector<16xi32>
        %and3A_569 = arith.andi %get3A_566, %and3A_568 : vector<16xi32>
        %swap3A_570 = arith.constant 0 : i32
        %swap3A_571 = arith.constant 0 : i32
        %swap3A_572 = tpu.memref_slice %arg8[%swap3A_570, %swap3A_571] : memref<2x112xi32, #tpu.memory_space<vmem>> -> memref<1x112xi32, #tpu.memory_space<vmem>>
        %swap3A_573 = tpu.memref_squeeze %swap3A_572 : memref<1x112xi32, #tpu.memory_space<vmem>> -> memref<112xi32, #tpu.memory_space<vmem>>
        %swap3A_574 = arith.constant 64 : index
        %swap3A_575 = tpu.vector_load %swap3A_573[%swap3A_574] {strides = array<i32>} : memref<112xi32, #tpu.memory_space<vmem>>, vector<16xi32>,
        %swap3A_576 = vector.shape_cast %swap3A_575 : vector<16xi32> to vector<16xi32>
        %swap3A_577 = vector.shape_cast %and3A_569 : vector<16xi32> to vector<16xi32>
        tpu.vector_store %swap3A_573[%swap3A_574], %swap3A_577 {strides = array<i32>} : memref<112xi32, #tpu.memory_space<vmem>>, vector<16xi32>,
        %shift_right_arithmetic3A_578 = arith.constant 16 : i32
        %shift_right_arithmetic3A_579 = vector.broadcast %shift_right_arithmetic3A_578 : i32 to vector<16xi32>
        %shift_right_arithmetic3A_580 = arith.shrsi %get3A_566, %shift_right_arithmetic3A_579 : vector<16xi32>
        %swap3A_581 = arith.constant 1 : i32
        %swap3A_582 = arith.constant 0 : i32
        %swap3A_583 = tpu.memref_slice %arg8[%swap3A_581, %swap3A_582] : memref<2x112xi32, #tpu.memory_space<vmem>> -> memref<1x112xi32, #tpu.memory_space<vmem>>
        %swap3A_584 = tpu.memref_squeeze %swap3A_583 : memref<1x112xi32, #tpu.memory_space<vmem>> -> memref<112xi32, #tpu.memory_space<vmem>>
        %swap3A_585 = arith.constant 64 : index
        %swap3A_586 = tpu.vector_load %swap3A_584[%swap3A_585] {strides = array<i32>} : memref<112xi32, #tpu.memory_space<vmem>>, vector<16xi32>,
        %swap3A_587 = vector.shape_cast %swap3A_586 : vector<16xi32> to vector<16xi32>
        %swap3A_588 = vector.shape_cast %shift_right_arithmetic3A_580 : vector<16xi32> to vector<16xi32>
        tpu.vector_store %swap3A_584[%swap3A_585], %swap3A_588 {strides = array<i32>} : memref<112xi32, #tpu.memory_space<vmem>>, vector<16xi32>,
        %get3A_589 = arith.constant 0 : i32
        %get3A_590 = tpu.memref_slice %arg7[%add3A_448, %get3A_589] : memref<149x112xi32, #tpu.memory_space<vmem>> -> memref<1x112xi32, #tpu.memory_space<vmem>>
        %get3A_591 = tpu.memref_squeeze %get3A_590 : memref<1x112xi32, #tpu.memory_space<vmem>> -> memref<112xi32, #tpu.memory_space<vmem>>
        %get3A_592 = arith.constant 80 : index
        %get3A_593 = tpu.vector_load %get3A_591[%get3A_592] {strides = array<i32>} : memref<112xi32, #tpu.memory_space<vmem>>, vector<16xi32>,
        %get3A_594 = vector.shape_cast %get3A_593 : vector<16xi32> to vector<16xi32>
        %and3A_595 = arith.constant 65535 : i32
        %and3A_596 = vector.broadcast %and3A_595 : i32 to vector<16xi32>
        %and3A_597 = arith.andi %get3A_594, %and3A_596 : vector<16xi32>
        %swap3A_598 = arith.constant 0 : i32
        %swap3A_599 = arith.constant 0 : i32
        %swap3A_600 = tpu.memref_slice %arg8[%swap3A_598, %swap3A_599] : memref<2x112xi32, #tpu.memory_space<vmem>> -> memref<1x112xi32, #tpu.memory_space<vmem>>
        %swap3A_601 = tpu.memref_squeeze %swap3A_600 : memref<1x112xi32, #tpu.memory_space<vmem>> -> memref<112xi32, #tpu.memory_space<vmem>>
        %swap3A_602 = arith.constant 80 : index
        %swap3A_603 = tpu.vector_load %swap3A_601[%swap3A_602] {strides = array<i32>} : memref<112xi32, #tpu.memory_space<vmem>>, vector<16xi32>,
        %swap3A_604 = vector.shape_cast %swap3A_603 : vector<16xi32> to vector<16xi32>
        %swap3A_605 = vector.shape_cast %and3A_597 : vector<16xi32> to vector<16xi32>
        tpu.vector_store %swap3A_601[%swap3A_602], %swap3A_605 {strides = array<i32>} : memref<112xi32, #tpu.memory_space<vmem>>, vector<16xi32>,
        %shift_right_arithmetic3A_606 = arith.constant 16 : i32
        %shift_right_arithmetic3A_607 = vector.broadcast %shift_right_arithmetic3A_606 : i32 to vector<16xi32>
        %shift_right_arithmetic3A_608 = arith.shrsi %get3A_594, %shift_right_arithmetic3A_607 : vector<16xi32>
        %swap3A_609 = arith.constant 1 : i32
        %swap3A_610 = arith.constant 0 : i32
        %swap3A_611 = tpu.memref_slice %arg8[%swap3A_609, %swap3A_610] : memref<2x112xi32, #tpu.memory_space<vmem>> -> memref<1x112xi32, #tpu.memory_space<vmem>>
        %swap3A_612 = tpu.memref_squeeze %swap3A_611 : memref<1x112xi32, #tpu.memory_space<vmem>> -> memref<112xi32, #tpu.memory_space<vmem>>
        %swap3A_613 = arith.constant 80 : index
        %swap3A_614 = tpu.vector_load %swap3A_612[%swap3A_613] {strides = array<i32>} : memref<112xi32, #tpu.memory_space<vmem>>, vector<16xi32>,
        %swap3A_615 = vector.shape_cast %swap3A_614 : vector<16xi32> to vector<16xi32>
        %swap3A_616 = vector.shape_cast %shift_right_arithmetic3A_608 : vector<16xi32> to vector<16xi32>
        tpu.vector_store %swap3A_612[%swap3A_613], %swap3A_616 {strides = array<i32>} : memref<112xi32, #tpu.memory_space<vmem>>, vector<16xi32>,
        %get3A_617 = arith.constant 0 : i32
        %get3A_618 = tpu.memref_slice %arg7[%add3A_448, %get3A_617] : memref<149x112xi32, #tpu.memory_space<vmem>> -> memref<1x112xi32, #tpu.memory_space<vmem>>
        %get3A_619 = tpu.memref_squeeze %get3A_618 : memref<1x112xi32, #tpu.memory_space<vmem>> -> memref<112xi32, #tpu.memory_space<vmem>>
        %get3A_620 = arith.constant 96 : index
        %get3A_621 = tpu.vector_load %get3A_619[%get3A_620] {strides = array<i32>} : memref<112xi32, #tpu.memory_space<vmem>>, vector<16xi32>,
        %get3A_622 = vector.shape_cast %get3A_621 : vector<16xi32> to vector<16xi32>
        %and3A_623 = arith.constant 65535 : i32
        %and3A_624 = vector.broadcast %and3A_623 : i32 to vector<16xi32>
        %and3A_625 = arith.andi %get3A_622, %and3A_624 : vector<16xi32>
        %swap3A_626 = arith.constant 0 : i32
        %swap3A_627 = arith.constant 0 : i32
        %swap3A_628 = tpu.memref_slice %arg8[%swap3A_626, %swap3A_627] : memref<2x112xi32, #tpu.memory_space<vmem>> -> memref<1x112xi32, #tpu.memory_space<vmem>>
        %swap3A_629 = tpu.memref_squeeze %swap3A_628 : memref<1x112xi32, #tpu.memory_space<vmem>> -> memref<112xi32, #tpu.memory_space<vmem>>
        %swap3A_630 = arith.constant 96 : index
        %swap3A_631 = tpu.vector_load %swap3A_629[%swap3A_630] {strides = array<i32>} : memref<112xi32, #tpu.memory_space<vmem>>, vector<16xi32>,
        %swap3A_632 = vector.shape_cast %swap3A_631 : vector<16xi32> to vector<16xi32>
        %swap3A_633 = vector.shape_cast %and3A_625 : vector<16xi32> to vector<16xi32>
        tpu.vector_store %swap3A_629[%swap3A_630], %swap3A_633 {strides = array<i32>} : memref<112xi32, #tpu.memory_space<vmem>>, vector<16xi32>,
        %shift_right_arithmetic3A_634 = arith.constant 16 : i32
        %shift_right_arithmetic3A_635 = vector.broadcast %shift_right_arithmetic3A_634 : i32 to vector<16xi32>
        %shift_right_arithmetic3A_636 = arith.shrsi %get3A_622, %shift_right_arithmetic3A_635 : vector<16xi32>
        %swap3A_637 = arith.constant 1 : i32
        %swap3A_638 = arith.constant 0 : i32
        %swap3A_639 = tpu.memref_slice %arg8[%swap3A_637, %swap3A_638] : memref<2x112xi32, #tpu.memory_space<vmem>> -> memref<1x112xi32, #tpu.memory_space<vmem>>
        %swap3A_640 = tpu.memref_squeeze %swap3A_639 : memref<1x112xi32, #tpu.memory_space<vmem>> -> memref<112xi32, #tpu.memory_space<vmem>>
        %swap3A_641 = arith.constant 96 : index
        %swap3A_642 = tpu.vector_load %swap3A_640[%swap3A_641] {strides = array<i32>} : memref<112xi32, #tpu.memory_space<vmem>>, vector<16xi32>,
        %swap3A_643 = vector.shape_cast %swap3A_642 : vector<16xi32> to vector<16xi32>
        %swap3A_644 = vector.shape_cast %shift_right_arithmetic3A_636 : vector<16xi32> to vector<16xi32>
        tpu.vector_store %swap3A_640[%swap3A_641], %swap3A_644 {strides = array<i32>} : memref<112xi32, #tpu.memory_space<vmem>>, vector<16xi32>,
        %dma_start3A_645 = arith.constant 0 : i32
        %dma_start3A_646 = arith.constant 0 : i32
        %dma_start3A_647 = tpu.memref_slice %arg8[%dma_start3A_645, %dma_start3A_646] : memref<2x112xi32, #tpu.memory_space<vmem>> -> memref<1x112xi32, #tpu.memory_space<vmem>>
        %dma_start3A_648 = tpu.memref_squeeze %dma_start3A_647 : memref<1x112xi32, #tpu.memory_space<vmem>> -> memref<112xi32, #tpu.memory_space<vmem>>
        %dma_start3A_649 = arith.constant 0 : i32
        %dma_start3A_650 = arith.constant 0 : i32
        %dma_start3A_651 = tpu.memref_slice %arg2[%dma_start3A_649, %dma_start3A_650] : memref<10000x128xf32, #tpu.memory_space<hbm>> -> memref<10000x128xf32, #tpu.memory_space<hbm>>
        tpu.enqueue_indirect_dma source(%dma_start3A_651 : memref<10000x128xf32, #tpu.memory_space<hbm>>) target(%arg10 : memref<112x128xf32, #tpu.memory_space<vmem>>) offsets(%dma_start3A_648 : memref<112xi32, #tpu.memory_space<vmem>>) semaphore(%arg13 : memref<!tpu.dma_semaphore, #tpu.memory_space<semaphore_mem>>)
        %dma_wait3A_652 = arith.constant 0 : i32
        %dma_wait3A_653 = arith.constant 0 : i32
        %dma_wait3A_654 = tpu.memref_slice %arg9[%dma_wait3A_652, %dma_wait3A_653] : memref<2x112xi32, #tpu.memory_space<vmem>> -> memref<1x112xi32, #tpu.memory_space<vmem>>
        %dma_wait3A_655 = tpu.memref_squeeze %dma_wait3A_654 : memref<1x112xi32, #tpu.memory_space<vmem>> -> memref<112xi32, #tpu.memory_space<vmem>>
        %dma_wait3A_656 = arith.constant 0 : i32
        %dma_wait3A_657 = arith.constant 0 : i32
        %dma_wait3A_658 = tpu.memref_slice %arg2[%dma_wait3A_656, %dma_wait3A_657] : memref<10000x128xf32, #tpu.memory_space<hbm>> -> memref<10000x128xf32, #tpu.memory_space<hbm>>
        tpu.wait_indirect_dma semaphore(%arg14 : memref<!tpu.dma_semaphore, #tpu.memory_space<semaphore_mem>>) src(%dma_wait3A_658 : memref<10000x128xf32, #tpu.memory_space<hbm>>) dst(%arg11 : memref<112x128xf32, #tpu.memory_space<vmem>>)
        %run_scoped3A_659 = arith.constant 1 : i32
        "tpu.region"() ({
          %run_scoped3A_660 = tpu.sem_alloc : memref<!tpu.dma_semaphore, #tpu.memory_space<semaphore_mem>>
          %dma_start3A_661 = arith.constant 0 : i32
          %dma_start3A_662 = tpu.memref_slice %arg9[%run_scoped3A_659, %dma_start3A_661] : memref<2x112xi32, #tpu.memory_space<vmem>> -> memref<1x112xi32, #tpu.memory_space<vmem>>
          %dma_start3A_663 = tpu.memref_squeeze %dma_start3A_662 : memref<1x112xi32, #tpu.memory_space<vmem>> -> memref<112xi32, #tpu.memory_space<vmem>>
          %dma_start3A_664 = arith.constant 0 : i32
          %dma_start3A_665 = arith.constant 0 : i32
          %dma_start3A_666 = tpu.memref_slice %arg12[%dma_start3A_664, %dma_start3A_665] : memref<10112x128xf32, #tpu.memory_space<vmem_shared>> -> memref<10112x128xf32, #tpu.memory_space<vmem_shared>>
          tpu.enqueue_indirect_dma source(%arg11 : memref<112x128xf32, #tpu.memory_space<vmem>>) target(%dma_start3A_666 : memref<10112x128xf32, #tpu.memory_space<vmem_shared>>) offsets(%dma_start3A_663 : memref<112xi32, #tpu.memory_space<vmem>>) semaphore(%run_scoped3A_660 : memref<!tpu.dma_semaphore, #tpu.memory_space<semaphore_mem>>) {add = true}
          %dma_wait3A_667 = arith.constant 0 : i32
          %dma_wait3A_668 = tpu.memref_slice %arg9[%run_scoped3A_659, %dma_wait3A_667] : memref<2x112xi32, #tpu.memory_space<vmem>> -> memref<1x112xi32, #tpu.memory_space<vmem>>
          %dma_wait3A_669 = tpu.memref_squeeze %dma_wait3A_668 : memref<1x112xi32, #tpu.memory_space<vmem>> -> memref<112xi32, #tpu.memory_space<vmem>>
          %dma_wait3A_670 = arith.constant 0 : i32
          %dma_wait3A_671 = arith.constant 0 : i32
          %dma_wait3A_672 = tpu.memref_slice %arg12[%dma_wait3A_670, %dma_wait3A_671] : memref<10112x128xf32, #tpu.memory_space<vmem_shared>> -> memref<10112x128xf32, #tpu.memory_space<vmem_shared>>
          tpu.wait_indirect_dma semaphore(%run_scoped3A_660 : memref<!tpu.dma_semaphore, #tpu.memory_space<semaphore_mem>>) src(%arg11 : memref<112x128xf32, #tpu.memory_space<vmem>>) dst(%dma_wait3A_672 : memref<10112x128xf32, #tpu.memory_space<vmem_shared>>)
          tpu.yield
        }) : () -> ()
      }
      %scan3A_223 = arith.constant 74 : i32
      %dma_wait3A = arith.constant 0 : i32
      %dma_wait3A_224 = arith.constant 0 : i32
      %dma_wait3A_225 = tpu.memref_slice %arg8[%dma_wait3A, %dma_wait3A_224] : memref<2x112xi32, #tpu.memory_space<vmem>> -> memref<1x112xi32, #tpu.memory_space<vmem>>
      %dma_wait3A_226 = tpu.memref_squeeze %dma_wait3A_225 : memref<1x112xi32, #tpu.memory_space<vmem>> -> memref<112xi32, #tpu.memory_space<vmem>>
      %dma_wait3A_227 = arith.constant 0 : i32
      %dma_wait3A_228 = arith.constant 0 : i32
      %dma_wait3A_229 = tpu.memref_slice %arg2[%dma_wait3A_227, %dma_wait3A_228] : memref<10000x128xf32, #tpu.memory_space<hbm>> -> memref<10000x128xf32, #tpu.memory_space<hbm>>
      tpu.wait_indirect_dma semaphore(%arg13 : memref<!tpu.dma_semaphore, #tpu.memory_space<semaphore_mem>>) src(%dma_wait3A_229 : memref<10000x128xf32, #tpu.memory_space<hbm>>) dst(%arg10 : memref<112x128xf32, #tpu.memory_space<vmem>>)
      %run_scoped3A = arith.constant 1 : i32
      "tpu.region"() ({
        %run_scoped3A_230 = tpu.sem_alloc : memref<!tpu.dma_semaphore, #tpu.memory_space<semaphore_mem>>
        %dma_start3A_231 = arith.constant 0 : i32
        %dma_start3A_232 = tpu.memref_slice %arg8[%run_scoped3A, %dma_start3A_231] : memref<2x112xi32, #tpu.memory_space<vmem>> -> memref<1x112xi32, #tpu.memory_space<vmem>>
        %dma_start3A_233 = tpu.memref_squeeze %dma_start3A_232 : memref<1x112xi32, #tpu.memory_space<vmem>> -> memref<112xi32, #tpu.memory_space<vmem>>
        %dma_start3A_234 = arith.constant 0 : i32
        %dma_start3A_235 = arith.constant 0 : i32
        %dma_start3A_236 = tpu.memref_slice %arg12[%dma_start3A_234, %dma_start3A_235] : memref<10112x128xf32, #tpu.memory_space<vmem_shared>> -> memref<10112x128xf32, #tpu.memory_space<vmem_shared>>
        tpu.enqueue_indirect_dma source(%arg10 : memref<112x128xf32, #tpu.memory_space<vmem>>) target(%dma_start3A_236 : memref<10112x128xf32, #tpu.memory_space<vmem_shared>>) offsets(%dma_start3A_233 : memref<112xi32, #tpu.memory_space<vmem>>) semaphore(%run_scoped3A_230 : memref<!tpu.dma_semaphore, #tpu.memory_space<semaphore_mem>>) {add = true}
        %dma_wait3A_237 = arith.constant 0 : i32
        %dma_wait3A_238 = tpu.memref_slice %arg8[%run_scoped3A, %dma_wait3A_237] : memref<2x112xi32, #tpu.memory_space<vmem>> -> memref<1x112xi32, #tpu.memory_space<vmem>>
        %dma_wait3A_239 = tpu.memref_squeeze %dma_wait3A_238 : memref<1x112xi32, #tpu.memory_space<vmem>> -> memref<112xi32, #tpu.memory_space<vmem>>
        %dma_wait3A_240 = arith.constant 0 : i32
        %dma_wait3A_241 = arith.constant 0 : i32
        %dma_wait3A_242 = tpu.memref_slice %arg12[%dma_wait3A_240, %dma_wait3A_241] : memref<10112x128xf32, #tpu.memory_space<vmem_shared>> -> memref<10112x128xf32, #tpu.memory_space<vmem_shared>>
        tpu.wait_indirect_dma semaphore(%run_scoped3A_230 : memref<!tpu.dma_semaphore, #tpu.memory_space<semaphore_mem>>) src(%arg10 : memref<112x128xf32, #tpu.memory_space<vmem>>) dst(%dma_wait3A_242 : memref<10112x128xf32, #tpu.memory_space<vmem_shared>>)
        tpu.yield
      }) : () -> ()
    } else {
    }
    %eq3A_5 = arith.constant 1 : i32
    %eq3A_6 = arith.cmpi eq, %arg0, %eq3A_5 : i32
    %convert_element_type3A_7 = arith.extui %eq3A_6 : i1 to i32
    %cond3A_8 = arith.constant 0 : i32
    %cond3A_9 = arith.cmpi ne, %convert_element_type3A_7, %cond3A_8 : i32
    scf.if %cond3A_9 {
      "tpu.region"() ({
        %run_scoped3A_230 = tpu.sem_alloc : memref<!tpu.dma_semaphore, #tpu.memory_space<semaphore_mem>>
        %dma_start3A_231 = arith.constant 0 : i32
        %dma_start3A_232 = arith.constant 0 : i32
        %dma_start3A_233 = tpu.memref_slice %arg7[%dma_start3A_231, %dma_start3A_232] : memref<149x112xi32, #tpu.memory_space<vmem>> -> memref<31x112xi32, #tpu.memory_space<vmem>>
        %dma_start3A_234 = arith.constant 0 : i32
        %dma_start3A_235 = arith.constant 0 : i32
        %dma_start3A_236 = tpu.memref_slice %arg4[%arg1, %dma_start3A_234, %dma_start3A_235] : memref<16x31x112xi32, #tpu.memory_space<hbm>> -> memref<1x31x112xi32, #tpu.memory_space<hbm>>
        %dma_start3A_237 = tpu.memref_squeeze %dma_start3A_236 : memref<1x31x112xi32, #tpu.memory_space<hbm>> -> memref<31x112xi32, #tpu.memory_space<hbm>>
        %dma_start3A_238 = arith.constant 0 : i32
        %dma_start3A_239 = arith.constant 0 : i32
        %dma_start3A_240 = tpu.memref_slice %arg7[%dma_start3A_238, %dma_start3A_239] : memref<149x112xi32, #tpu.memory_space<vmem>> -> memref<31x112xi32, #tpu.memory_space<vmem>>
        %dma_start3A_241 = arith.constant 0 : i32
        %dma_start3A_242 = arith.constant 0 : i32
        %dma_start3A_243 = tpu.memref_slice %arg4[%arg1, %dma_start3A_241, %dma_start3A_242] : memref<16x31x112xi32, #tpu.memory_space<hbm>> -> memref<1x31x112xi32, #tpu.memory_space<hbm>>
        %dma_start3A_244 = tpu.memref_squeeze %dma_start3A_243 : memref<1x31x112xi32, #tpu.memory_space<hbm>> -> memref<31x112xi32, #tpu.memory_space<hbm>>
        tpu.enqueue_dma source(%dma_start3A_244 : memref<31x112xi32, #tpu.memory_space<hbm>>) target(%dma_start3A_240 : memref<31x112xi32, #tpu.memory_space<vmem>>) target_semaphore(%run_scoped3A_230 : memref<!tpu.dma_semaphore, #tpu.memory_space<semaphore_mem>>)
        %dma_wait3A_245 = arith.constant 0 : i32
        %dma_wait3A_246 = arith.constant 0 : i32
        %dma_wait3A_247 = tpu.memref_slice %arg7[%dma_wait3A_245, %dma_wait3A_246] : memref<149x112xi32, #tpu.memory_space<vmem>> -> memref<31x112xi32, #tpu.memory_space<vmem>>
        %dma_wait3A_248 = arith.constant 0 : i32
        %dma_wait3A_249 = arith.constant 0 : i32
        %dma_wait3A_250 = tpu.memref_slice %arg4[%arg1, %dma_wait3A_248, %dma_wait3A_249] : memref<16x31x112xi32, #tpu.memory_space<hbm>> -> memref<1x31x112xi32, #tpu.memory_space<hbm>>
        %dma_wait3A_251 = tpu.memref_squeeze %dma_wait3A_250 : memref<1x31x112xi32, #tpu.memory_space<hbm>> -> memref<31x112xi32, #tpu.memory_space<hbm>>
        %dma_wait3A_252 = arith.constant 0 : i32
        %dma_wait3A_253 = arith.constant 0 : i32
        %dma_wait3A_254 = tpu.memref_slice %arg7[%dma_wait3A_252, %dma_wait3A_253] : memref<149x112xi32, #tpu.memory_space<vmem>> -> memref<31x112xi32, #tpu.memory_space<vmem>>
        %dma_wait3A_255 = arith.constant 0 : i32
        %dma_wait3A_256 = arith.constant 0 : i32
        %dma_wait3A_257 = tpu.memref_slice %arg4[%arg1, %dma_wait3A_255, %dma_wait3A_256] : memref<16x31x112xi32, #tpu.memory_space<hbm>> -> memref<1x31x112xi32, #tpu.memory_space<hbm>>
        %dma_wait3A_258 = tpu.memref_squeeze %dma_wait3A_257 : memref<1x31x112xi32, #tpu.memory_space<hbm>> -> memref<31x112xi32, #tpu.memory_space<hbm>>
        tpu.wait_dma2 semaphore(%run_scoped3A_230 : memref<!tpu.dma_semaphore, #tpu.memory_space<semaphore_mem>>) src(%dma_wait3A_258 : memref<31x112xi32, #tpu.memory_space<hbm>>) dst(%dma_wait3A_254 : memref<31x112xi32, #tpu.memory_space<vmem>>)
        tpu.yield
      }) : () -> ()
      %get3A = arith.constant 0 : i32
      %get3A_15 = arith.constant 0 : i32
      %get3A_16 = tpu.memref_slice %arg7[%get3A, %get3A_15] : memref<149x112xi32, #tpu.memory_space<vmem>> -> memref<1x112xi32, #tpu.memory_space<vmem>>
      %get3A_17 = tpu.memref_squeeze %get3A_16 : memref<1x112xi32, #tpu.memory_space<vmem>> -> memref<112xi32, #tpu.memory_space<vmem>>
      %get3A_18 = arith.constant 0 : index
      %get3A_19 = tpu.vector_load %get3A_17[%get3A_18] {strides = array<i32>} : memref<112xi32, #tpu.memory_space<vmem>>, vector<16xi32>,
      %get3A_20 = vector.shape_cast %get3A_19 : vector<16xi32> to vector<16xi32>
      %and3A = arith.constant 65535 : i32
      %and3A_21 = vector.broadcast %and3A : i32 to vector<16xi32>
      %and3A_22 = arith.andi %get3A_20, %and3A_21 : vector<16xi32>
      %swap3A = arith.constant 0 : i32
      %swap3A_23 = arith.constant 0 : i32
      %swap3A_24 = tpu.memref_slice %arg8[%swap3A, %swap3A_23] : memref<2x112xi32, #tpu.memory_space<vmem>> -> memref<1x112xi32, #tpu.memory_space<vmem>>
      %swap3A_25 = tpu.memref_squeeze %swap3A_24 : memref<1x112xi32, #tpu.memory_space<vmem>> -> memref<112xi32, #tpu.memory_space<vmem>>
      %swap3A_26 = arith.constant 0 : index
      %swap3A_27 = tpu.vector_load %swap3A_25[%swap3A_26] {strides = array<i32>} : memref<112xi32, #tpu.memory_space<vmem>>, vector<16xi32>,
      %swap3A_28 = vector.shape_cast %swap3A_27 : vector<16xi32> to vector<16xi32>
      %swap3A_29 = vector.shape_cast %and3A_22 : vector<16xi32> to vector<16xi32>
      tpu.vector_store %swap3A_25[%swap3A_26], %swap3A_29 {strides = array<i32>} : memref<112xi32, #tpu.memory_space<vmem>>, vector<16xi32>,
      %shift_right_arithmetic3A = arith.constant 16 : i32
      %shift_right_arithmetic3A_30 = vector.broadcast %shift_right_arithmetic3A : i32 to vector<16xi32>
      %shift_right_arithmetic3A_31 = arith.shrsi %get3A_20, %shift_right_arithmetic3A_30 : vector<16xi32>
      %swap3A_32 = arith.constant 1 : i32
      %swap3A_33 = arith.constant 0 : i32
      %swap3A_34 = tpu.memref_slice %arg8[%swap3A_32, %swap3A_33] : memref<2x112xi32, #tpu.memory_space<vmem>> -> memref<1x112xi32, #tpu.memory_space<vmem>>
      %swap3A_35 = tpu.memref_squeeze %swap3A_34 : memref<1x112xi32, #tpu.memory_space<vmem>> -> memref<112xi32, #tpu.memory_space<vmem>>
      %swap3A_36 = arith.constant 0 : index
      %swap3A_37 = tpu.vector_load %swap3A_35[%swap3A_36] {strides = array<i32>} : memref<112xi32, #tpu.memory_space<vmem>>, vector<16xi32>,
      %swap3A_38 = vector.shape_cast %swap3A_37 : vector<16xi32> to vector<16xi32>
      %swap3A_39 = vector.shape_cast %shift_right_arithmetic3A_31 : vector<16xi32> to vector<16xi32>
      tpu.vector_store %swap3A_35[%swap3A_36], %swap3A_39 {strides = array<i32>} : memref<112xi32, #tpu.memory_space<vmem>>, vector<16xi32>,
      %get3A_40 = arith.constant 0 : i32
      %get3A_41 = arith.constant 0 : i32
      %get3A_42 = tpu.memref_slice %arg7[%get3A_40, %get3A_41] : memref<149x112xi32, #tpu.memory_space<vmem>> -> memref<1x112xi32, #tpu.memory_space<vmem>>
      %get3A_43 = tpu.memref_squeeze %get3A_42 : memref<1x112xi32, #tpu.memory_space<vmem>> -> memref<112xi32, #tpu.memory_space<vmem>>
      %get3A_44 = arith.constant 16 : index
      %get3A_45 = tpu.vector_load %get3A_43[%get3A_44] {strides = array<i32>} : memref<112xi32, #tpu.memory_space<vmem>>, vector<16xi32>,
      %get3A_46 = vector.shape_cast %get3A_45 : vector<16xi32> to vector<16xi32>
      %and3A_47 = arith.constant 65535 : i32
      %and3A_48 = vector.broadcast %and3A_47 : i32 to vector<16xi32>
      %and3A_49 = arith.andi %get3A_46, %and3A_48 : vector<16xi32>
      %swap3A_50 = arith.constant 0 : i32
      %swap3A_51 = arith.constant 0 : i32
      %swap3A_52 = tpu.memref_slice %arg8[%swap3A_50, %swap3A_51] : memref<2x112xi32, #tpu.memory_space<vmem>> -> memref<1x112xi32, #tpu.memory_space<vmem>>
      %swap3A_53 = tpu.memref_squeeze %swap3A_52 : memref<1x112xi32, #tpu.memory_space<vmem>> -> memref<112xi32, #tpu.memory_space<vmem>>
      %swap3A_54 = arith.constant 16 : index
      %swap3A_55 = tpu.vector_load %swap3A_53[%swap3A_54] {strides = array<i32>} : memref<112xi32, #tpu.memory_space<vmem>>, vector<16xi32>,
      %swap3A_56 = vector.shape_cast %swap3A_55 : vector<16xi32> to vector<16xi32>
      %swap3A_57 = vector.shape_cast %and3A_49 : vector<16xi32> to vector<16xi32>
      tpu.vector_store %swap3A_53[%swap3A_54], %swap3A_57 {strides = array<i32>} : memref<112xi32, #tpu.memory_space<vmem>>, vector<16xi32>,
      %shift_right_arithmetic3A_58 = arith.constant 16 : i32
      %shift_right_arithmetic3A_59 = vector.broadcast %shift_right_arithmetic3A_58 : i32 to vector<16xi32>
      %shift_right_arithmetic3A_60 = arith.shrsi %get3A_46, %shift_right_arithmetic3A_59 : vector<16xi32>
      %swap3A_61 = arith.constant 1 : i32
      %swap3A_62 = arith.constant 0 : i32
      %swap3A_63 = tpu.memref_slice %arg8[%swap3A_61, %swap3A_62] : memref<2x112xi32, #tpu.memory_space<vmem>> -> memref<1x112xi32, #tpu.memory_space<vmem>>
      %swap3A_64 = tpu.memref_squeeze %swap3A_63 : memref<1x112xi32, #tpu.memory_space<vmem>> -> memref<112xi32, #tpu.memory_space<vmem>>
      %swap3A_65 = arith.constant 16 : index
      %swap3A_66 = tpu.vector_load %swap3A_64[%swap3A_65] {strides = array<i32>} : memref<112xi32, #tpu.memory_space<vmem>>, vector<16xi32>,
      %swap3A_67 = vector.shape_cast %swap3A_66 : vector<16xi32> to vector<16xi32>
      %swap3A_68 = vector.shape_cast %shift_right_arithmetic3A_60 : vector<16xi32> to vector<16xi32>
      tpu.vector_store %swap3A_64[%swap3A_65], %swap3A_68 {strides = array<i32>} : memref<112xi32, #tpu.memory_space<vmem>>, vector<16xi32>,
      %get3A_69 = arith.constant 0 : i32
      %get3A_70 = arith.constant 0 : i32
      %get3A_71 = tpu.memref_slice %arg7[%get3A_69, %get3A_70] : memref<149x112xi32, #tpu.memory_space<vmem>> -> memref<1x112xi32, #tpu.memory_space<vmem>>
      %get3A_72 = tpu.memref_squeeze %get3A_71 : memref<1x112xi32, #tpu.memory_space<vmem>> -> memref<112xi32, #tpu.memory_space<vmem>>
      %get3A_73 = arith.constant 32 : index
      %get3A_74 = tpu.vector_load %get3A_72[%get3A_73] {strides = array<i32>} : memref<112xi32, #tpu.memory_space<vmem>>, vector<16xi32>,
      %get3A_75 = vector.shape_cast %get3A_74 : vector<16xi32> to vector<16xi32>
      %and3A_76 = arith.constant 65535 : i32
      %and3A_77 = vector.broadcast %and3A_76 : i32 to vector<16xi32>
      %and3A_78 = arith.andi %get3A_75, %and3A_77 : vector<16xi32>
      %swap3A_79 = arith.constant 0 : i32
      %swap3A_80 = arith.constant 0 : i32
      %swap3A_81 = tpu.memref_slice %arg8[%swap3A_79, %swap3A_80] : memref<2x112xi32, #tpu.memory_space<vmem>> -> memref<1x112xi32, #tpu.memory_space<vmem>>
      %swap3A_82 = tpu.memref_squeeze %swap3A_81 : memref<1x112xi32, #tpu.memory_space<vmem>> -> memref<112xi32, #tpu.memory_space<vmem>>
      %swap3A_83 = arith.constant 32 : index
      %swap3A_84 = tpu.vector_load %swap3A_82[%swap3A_83] {strides = array<i32>} : memref<112xi32, #tpu.memory_space<vmem>>, vector<16xi32>,
      %swap3A_85 = vector.shape_cast %swap3A_84 : vector<16xi32> to vector<16xi32>
      %swap3A_86 = vector.shape_cast %and3A_78 : vector<16xi32> to vector<16xi32>
      tpu.vector_store %swap3A_82[%swap3A_83], %swap3A_86 {strides = array<i32>} : memref<112xi32, #tpu.memory_space<vmem>>, vector<16xi32>,
      %shift_right_arithmetic3A_87 = arith.constant 16 : i32
      %shift_right_arithmetic3A_88 = vector.broadcast %shift_right_arithmetic3A_87 : i32 to vector<16xi32>
      %shift_right_arithmetic3A_89 = arith.shrsi %get3A_75, %shift_right_arithmetic3A_88 : vector<16xi32>
      %swap3A_90 = arith.constant 1 : i32
      %swap3A_91 = arith.constant 0 : i32
      %swap3A_92 = tpu.memref_slice %arg8[%swap3A_90, %swap3A_91] : memref<2x112xi32, #tpu.memory_space<vmem>> -> memref<1x112xi32, #tpu.memory_space<vmem>>
      %swap3A_93 = tpu.memref_squeeze %swap3A_92 : memref<1x112xi32, #tpu.memory_space<vmem>> -> memref<112xi32, #tpu.memory_space<vmem>>
      %swap3A_94 = arith.constant 32 : index
      %swap3A_95 = tpu.vector_load %swap3A_93[%swap3A_94] {strides = array<i32>} : memref<112xi32, #tpu.memory_space<vmem>>, vector<16xi32>,
      %swap3A_96 = vector.shape_cast %swap3A_95 : vector<16xi32> to vector<16xi32>
      %swap3A_97 = vector.shape_cast %shift_right_arithmetic3A_89 : vector<16xi32> to vector<16xi32>
      tpu.vector_store %swap3A_93[%swap3A_94], %swap3A_97 {strides = array<i32>} : memref<112xi32, #tpu.memory_space<vmem>>, vector<16xi32>,
      %get3A_98 = arith.constant 0 : i32
      %get3A_99 = arith.constant 0 : i32
      %get3A_100 = tpu.memref_slice %arg7[%get3A_98, %get3A_99] : memref<149x112xi32, #tpu.memory_space<vmem>> -> memref<1x112xi32, #tpu.memory_space<vmem>>
      %get3A_101 = tpu.memref_squeeze %get3A_100 : memref<1x112xi32, #tpu.memory_space<vmem>> -> memref<112xi32, #tpu.memory_space<vmem>>
      %get3A_102 = arith.constant 48 : index
      %get3A_103 = tpu.vector_load %get3A_101[%get3A_102] {strides = array<i32>} : memref<112xi32, #tpu.memory_space<vmem>>, vector<16xi32>,
      %get3A_104 = vector.shape_cast %get3A_103 : vector<16xi32> to vector<16xi32>
      %and3A_105 = arith.constant 65535 : i32
      %and3A_106 = vector.broadcast %and3A_105 : i32 to vector<16xi32>
      %and3A_107 = arith.andi %get3A_104, %and3A_106 : vector<16xi32>
      %swap3A_108 = arith.constant 0 : i32
      %swap3A_109 = arith.constant 0 : i32
      %swap3A_110 = tpu.memref_slice %arg8[%swap3A_108, %swap3A_109] : memref<2x112xi32, #tpu.memory_space<vmem>> -> memref<1x112xi32, #tpu.memory_space<vmem>>
      %swap3A_111 = tpu.memref_squeeze %swap3A_110 : memref<1x112xi32, #tpu.memory_space<vmem>> -> memref<112xi32, #tpu.memory_space<vmem>>
      %swap3A_112 = arith.constant 48 : index
      %swap3A_113 = tpu.vector_load %swap3A_111[%swap3A_112] {strides = array<i32>} : memref<112xi32, #tpu.memory_space<vmem>>, vector<16xi32>,
      %swap3A_114 = vector.shape_cast %swap3A_113 : vector<16xi32> to vector<16xi32>
      %swap3A_115 = vector.shape_cast %and3A_107 : vector<16xi32> to vector<16xi32>
      tpu.vector_store %swap3A_111[%swap3A_112], %swap3A_115 {strides = array<i32>} : memref<112xi32, #tpu.memory_space<vmem>>, vector<16xi32>,
      %shift_right_arithmetic3A_116 = arith.constant 16 : i32
      %shift_right_arithmetic3A_117 = vector.broadcast %shift_right_arithmetic3A_116 : i32 to vector<16xi32>
      %shift_right_arithmetic3A_118 = arith.shrsi %get3A_104, %shift_right_arithmetic3A_117 : vector<16xi32>
      %swap3A_119 = arith.constant 1 : i32
      %swap3A_120 = arith.constant 0 : i32
      %swap3A_121 = tpu.memref_slice %arg8[%swap3A_119, %swap3A_120] : memref<2x112xi32, #tpu.memory_space<vmem>> -> memref<1x112xi32, #tpu.memory_space<vmem>>
      %swap3A_122 = tpu.memref_squeeze %swap3A_121 : memref<1x112xi32, #tpu.memory_space<vmem>> -> memref<112xi32, #tpu.memory_space<vmem>>
      %swap3A_123 = arith.constant 48 : index
      %swap3A_124 = tpu.vector_load %swap3A_122[%swap3A_123] {strides = array<i32>} : memref<112xi32, #tpu.memory_space<vmem>>, vector<16xi32>,
      %swap3A_125 = vector.shape_cast %swap3A_124 : vector<16xi32> to vector<16xi32>
      %swap3A_126 = vector.shape_cast %shift_right_arithmetic3A_118 : vector<16xi32> to vector<16xi32>
      tpu.vector_store %swap3A_122[%swap3A_123], %swap3A_126 {strides = array<i32>} : memref<112xi32, #tpu.memory_space<vmem>>, vector<16xi32>,
      %get3A_127 = arith.constant 0 : i32
      %get3A_128 = arith.constant 0 : i32
      %get3A_129 = tpu.memref_slice %arg7[%get3A_127, %get3A_128] : memref<149x112xi32, #tpu.memory_space<vmem>> -> memref<1x112xi32, #tpu.memory_space<vmem>>
      %get3A_130 = tpu.memref_squeeze %get3A_129 : memref<1x112xi32, #tpu.memory_space<vmem>> -> memref<112xi32, #tpu.memory_space<vmem>>
      %get3A_131 = arith.constant 64 : index
      %get3A_132 = tpu.vector_load %get3A_130[%get3A_131] {strides = array<i32>} : memref<112xi32, #tpu.memory_space<vmem>>, vector<16xi32>,
      %get3A_133 = vector.shape_cast %get3A_132 : vector<16xi32> to vector<16xi32>
      %and3A_134 = arith.constant 65535 : i32
      %and3A_135 = vector.broadcast %and3A_134 : i32 to vector<16xi32>
      %and3A_136 = arith.andi %get3A_133, %and3A_135 : vector<16xi32>
      %swap3A_137 = arith.constant 0 : i32
      %swap3A_138 = arith.constant 0 : i32
      %swap3A_139 = tpu.memref_slice %arg8[%swap3A_137, %swap3A_138] : memref<2x112xi32, #tpu.memory_space<vmem>> -> memref<1x112xi32, #tpu.memory_space<vmem>>
      %swap3A_140 = tpu.memref_squeeze %swap3A_139 : memref<1x112xi32, #tpu.memory_space<vmem>> -> memref<112xi32, #tpu.memory_space<vmem>>
      %swap3A_141 = arith.constant 64 : index
      %swap3A_142 = tpu.vector_load %swap3A_140[%swap3A_141] {strides = array<i32>} : memref<112xi32, #tpu.memory_space<vmem>>, vector<16xi32>,
      %swap3A_143 = vector.shape_cast %swap3A_142 : vector<16xi32> to vector<16xi32>
      %swap3A_144 = vector.shape_cast %and3A_136 : vector<16xi32> to vector<16xi32>
      tpu.vector_store %swap3A_140[%swap3A_141], %swap3A_144 {strides = array<i32>} : memref<112xi32, #tpu.memory_space<vmem>>, vector<16xi32>,
      %shift_right_arithmetic3A_145 = arith.constant 16 : i32
      %shift_right_arithmetic3A_146 = vector.broadcast %shift_right_arithmetic3A_145 : i32 to vector<16xi32>
      %shift_right_arithmetic3A_147 = arith.shrsi %get3A_133, %shift_right_arithmetic3A_146 : vector<16xi32>
      %swap3A_148 = arith.constant 1 : i32
      %swap3A_149 = arith.constant 0 : i32
      %swap3A_150 = tpu.memref_slice %arg8[%swap3A_148, %swap3A_149] : memref<2x112xi32, #tpu.memory_space<vmem>> -> memref<1x112xi32, #tpu.memory_space<vmem>>
      %swap3A_151 = tpu.memref_squeeze %swap3A_150 : memref<1x112xi32, #tpu.memory_space<vmem>> -> memref<112xi32, #tpu.memory_space<vmem>>
      %swap3A_152 = arith.constant 64 : index
      %swap3A_153 = tpu.vector_load %swap3A_151[%swap3A_152] {strides = array<i32>} : memref<112xi32, #tpu.memory_space<vmem>>, vector<16xi32>,
      %swap3A_154 = vector.shape_cast %swap3A_153 : vector<16xi32> to vector<16xi32>
      %swap3A_155 = vector.shape_cast %shift_right_arithmetic3A_147 : vector<16xi32> to vector<16xi32>
      tpu.vector_store %swap3A_151[%swap3A_152], %swap3A_155 {strides = array<i32>} : memref<112xi32, #tpu.memory_space<vmem>>, vector<16xi32>,
      %get3A_156 = arith.constant 0 : i32
      %get3A_157 = arith.constant 0 : i32
      %get3A_158 = tpu.memref_slice %arg7[%get3A_156, %get3A_157] : memref<149x112xi32, #tpu.memory_space<vmem>> -> memref<1x112xi32, #tpu.memory_space<vmem>>
      %get3A_159 = tpu.memref_squeeze %get3A_158 : memref<1x112xi32, #tpu.memory_space<vmem>> -> memref<112xi32, #tpu.memory_space<vmem>>
      %get3A_160 = arith.constant 80 : index
      %get3A_161 = tpu.vector_load %get3A_159[%get3A_160] {strides = array<i32>} : memref<112xi32, #tpu.memory_space<vmem>>, vector<16xi32>,
      %get3A_162 = vector.shape_cast %get3A_161 : vector<16xi32> to vector<16xi32>
      %and3A_163 = arith.constant 65535 : i32
      %and3A_164 = vector.broadcast %and3A_163 : i32 to vector<16xi32>
      %and3A_165 = arith.andi %get3A_162, %and3A_164 : vector<16xi32>
      %swap3A_166 = arith.constant 0 : i32
      %swap3A_167 = arith.constant 0 : i32
      %swap3A_168 = tpu.memref_slice %arg8[%swap3A_166, %swap3A_167] : memref<2x112xi32, #tpu.memory_space<vmem>> -> memref<1x112xi32, #tpu.memory_space<vmem>>
      %swap3A_169 = tpu.memref_squeeze %swap3A_168 : memref<1x112xi32, #tpu.memory_space<vmem>> -> memref<112xi32, #tpu.memory_space<vmem>>
      %swap3A_170 = arith.constant 80 : index
      %swap3A_171 = tpu.vector_load %swap3A_169[%swap3A_170] {strides = array<i32>} : memref<112xi32, #tpu.memory_space<vmem>>, vector<16xi32>,
      %swap3A_172 = vector.shape_cast %swap3A_171 : vector<16xi32> to vector<16xi32>
      %swap3A_173 = vector.shape_cast %and3A_165 : vector<16xi32> to vector<16xi32>
      tpu.vector_store %swap3A_169[%swap3A_170], %swap3A_173 {strides = array<i32>} : memref<112xi32, #tpu.memory_space<vmem>>, vector<16xi32>,
      %shift_right_arithmetic3A_174 = arith.constant 16 : i32
      %shift_right_arithmetic3A_175 = vector.broadcast %shift_right_arithmetic3A_174 : i32 to vector<16xi32>
      %shift_right_arithmetic3A_176 = arith.shrsi %get3A_162, %shift_right_arithmetic3A_175 : vector<16xi32>
      %swap3A_177 = arith.constant 1 : i32
      %swap3A_178 = arith.constant 0 : i32
      %swap3A_179 = tpu.memref_slice %arg8[%swap3A_177, %swap3A_178] : memref<2x112xi32, #tpu.memory_space<vmem>> -> memref<1x112xi32, #tpu.memory_space<vmem>>
      %swap3A_180 = tpu.memref_squeeze %swap3A_179 : memref<1x112xi32, #tpu.memory_space<vmem>> -> memref<112xi32, #tpu.memory_space<vmem>>
      %swap3A_181 = arith.constant 80 : index
      %swap3A_182 = tpu.vector_load %swap3A_180[%swap3A_181] {strides = array<i32>} : memref<112xi32, #tpu.memory_space<vmem>>, vector<16xi32>,
      %swap3A_183 = vector.shape_cast %swap3A_182 : vector<16xi32> to vector<16xi32>
      %swap3A_184 = vector.shape_cast %shift_right_arithmetic3A_176 : vector<16xi32> to vector<16xi32>
      tpu.vector_store %swap3A_180[%swap3A_181], %swap3A_184 {strides = array<i32>} : memref<112xi32, #tpu.memory_space<vmem>>, vector<16xi32>,
      %get3A_185 = arith.constant 0 : i32
      %get3A_186 = arith.constant 0 : i32
      %get3A_187 = tpu.memref_slice %arg7[%get3A_185, %get3A_186] : memref<149x112xi32, #tpu.memory_space<vmem>> -> memref<1x112xi32, #tpu.memory_space<vmem>>
      %get3A_188 = tpu.memref_squeeze %get3A_187 : memref<1x112xi32, #tpu.memory_space<vmem>> -> memref<112xi32, #tpu.memory_space<vmem>>
      %get3A_189 = arith.constant 96 : index
      %get3A_190 = tpu.vector_load %get3A_188[%get3A_189] {strides = array<i32>} : memref<112xi32, #tpu.memory_space<vmem>>, vector<16xi32>,
      %get3A_191 = vector.shape_cast %get3A_190 : vector<16xi32> to vector<16xi32>
      %and3A_192 = arith.constant 65535 : i32
      %and3A_193 = vector.broadcast %and3A_192 : i32 to vector<16xi32>
      %and3A_194 = arith.andi %get3A_191, %and3A_193 : vector<16xi32>
      %swap3A_195 = arith.constant 0 : i32
      %swap3A_196 = arith.constant 0 : i32
      %swap3A_197 = tpu.memref_slice %arg8[%swap3A_195, %swap3A_196] : memref<2x112xi32, #tpu.memory_space<vmem>> -> memref<1x112xi32, #tpu.memory_space<vmem>>
      %swap3A_198 = tpu.memref_squeeze %swap3A_197 : memref<1x112xi32, #tpu.memory_space<vmem>> -> memref<112xi32, #tpu.memory_space<vmem>>
      %swap3A_199 = arith.constant 96 : index
      %swap3A_200 = tpu.vector_load %swap3A_198[%swap3A_199] {strides = array<i32>} : memref<112xi32, #tpu.memory_space<vmem>>, vector<16xi32>,
      %swap3A_201 = vector.shape_cast %swap3A_200 : vector<16xi32> to vector<16xi32>
      %swap3A_202 = vector.shape_cast %and3A_194 : vector<16xi32> to vector<16xi32>
      tpu.vector_store %swap3A_198[%swap3A_199], %swap3A_202 {strides = array<i32>} : memref<112xi32, #tpu.memory_space<vmem>>, vector<16xi32>,
      %shift_right_arithmetic3A_203 = arith.constant 16 : i32
      %shift_right_arithmetic3A_204 = vector.broadcast %shift_right_arithmetic3A_203 : i32 to vector<16xi32>
      %shift_right_arithmetic3A_205 = arith.shrsi %get3A_191, %shift_right_arithmetic3A_204 : vector<16xi32>
      %swap3A_206 = arith.constant 1 : i32
      %swap3A_207 = arith.constant 0 : i32
      %swap3A_208 = tpu.memref_slice %arg8[%swap3A_206, %swap3A_207] : memref<2x112xi32, #tpu.memory_space<vmem>> -> memref<1x112xi32, #tpu.memory_space<vmem>>
      %swap3A_209 = tpu.memref_squeeze %swap3A_208 : memref<1x112xi32, #tpu.memory_space<vmem>> -> memref<112xi32, #tpu.memory_space<vmem>>
      %swap3A_210 = arith.constant 96 : index
      %swap3A_211 = tpu.vector_load %swap3A_209[%swap3A_210] {strides = array<i32>} : memref<112xi32, #tpu.memory_space<vmem>>, vector<16xi32>,
      %swap3A_212 = vector.shape_cast %swap3A_211 : vector<16xi32> to vector<16xi32>
      %swap3A_213 = vector.shape_cast %shift_right_arithmetic3A_205 : vector<16xi32> to vector<16xi32>
      tpu.vector_store %swap3A_209[%swap3A_210], %swap3A_213 {strides = array<i32>} : memref<112xi32, #tpu.memory_space<vmem>>, vector<16xi32>,
      %dma_start3A = arith.constant 0 : i32
      %dma_start3A_214 = arith.constant 0 : i32
      %dma_start3A_215 = tpu.memref_slice %arg8[%dma_start3A, %dma_start3A_214] : memref<2x112xi32, #tpu.memory_space<vmem>> -> memref<1x112xi32, #tpu.memory_space<vmem>>
      %dma_start3A_216 = tpu.memref_squeeze %dma_start3A_215 : memref<1x112xi32, #tpu.memory_space<vmem>> -> memref<112xi32, #tpu.memory_space<vmem>>
      %dma_start3A_217 = arith.constant 0 : i32
      %dma_start3A_218 = arith.constant 0 : i32
      %dma_start3A_219 = tpu.memref_slice %arg2[%dma_start3A_217, %dma_start3A_218] : memref<10000x128xf32, #tpu.memory_space<hbm>> -> memref<10000x128xf32, #tpu.memory_space<hbm>>
      tpu.enqueue_indirect_dma source(%dma_start3A_219 : memref<10000x128xf32, #tpu.memory_space<hbm>>) target(%arg10 : memref<112x128xf32, #tpu.memory_space<vmem>>) offsets(%dma_start3A_216 : memref<112xi32, #tpu.memory_space<vmem>>) semaphore(%arg13 : memref<!tpu.dma_semaphore, #tpu.memory_space<semaphore_mem>>)
      %scan3A = arith.constant 0 : i32
      %scan3A_220 = arith.constant 15 : i32
      %scan3A_221 = arith.addi %scan3A, %scan3A_220 : i32
      %scan3A_222 = arith.constant 1 : i32
      scf.for %scan3A_230 = %scan3A to %scan3A_221 step %scan3A_222  : i32 {
        %mul3A_231 = arith.constant 2 : i32
        %mul3A_232 = arith.muli %scan3A_230, %mul3A_231 : i32
        %add3A = arith.constant 0 : i32
        %add3A_233 = arith.addi %add3A, %mul3A_232 : i32
        %add3A_234 = arith.constant 1 : i32
        %add3A_235 = arith.addi %add3A_233, %add3A_234 : i32
        %get3A_236 = arith.constant 0 : i32
        %get3A_237 = tpu.memref_slice %arg7[%add3A_235, %get3A_236] : memref<149x112xi32, #tpu.memory_space<vmem>> -> memref<1x112xi32, #tpu.memory_space<vmem>>
        %get3A_238 = tpu.memref_squeeze %get3A_237 : memref<1x112xi32, #tpu.memory_space<vmem>> -> memref<112xi32, #tpu.memory_space<vmem>>
        %get3A_239 = arith.constant 0 : index
        %get3A_240 = tpu.vector_load %get3A_238[%get3A_239] {strides = array<i32>} : memref<112xi32, #tpu.memory_space<vmem>>, vector<16xi32>,
        %get3A_241 = vector.shape_cast %get3A_240 : vector<16xi32> to vector<16xi32>
        %and3A_242 = arith.constant 65535 : i32
        %and3A_243 = vector.broadcast %and3A_242 : i32 to vector<16xi32>
        %and3A_244 = arith.andi %get3A_241, %and3A_243 : vector<16xi32>
        %swap3A_245 = arith.constant 0 : i32
        %swap3A_246 = arith.constant 0 : i32
        %swap3A_247 = tpu.memref_slice %arg9[%swap3A_245, %swap3A_246] : memref<2x112xi32, #tpu.memory_space<vmem>> -> memref<1x112xi32, #tpu.memory_space<vmem>>
        %swap3A_248 = tpu.memref_squeeze %swap3A_247 : memref<1x112xi32, #tpu.memory_space<vmem>> -> memref<112xi32, #tpu.memory_space<vmem>>
        %swap3A_249 = arith.constant 0 : index
        %swap3A_250 = tpu.vector_load %swap3A_248[%swap3A_249] {strides = array<i32>} : memref<112xi32, #tpu.memory_space<vmem>>, vector<16xi32>,
        %swap3A_251 = vector.shape_cast %swap3A_250 : vector<16xi32> to vector<16xi32>
        %swap3A_252 = vector.shape_cast %and3A_244 : vector<16xi32> to vector<16xi32>
        tpu.vector_store %swap3A_248[%swap3A_249], %swap3A_252 {strides = array<i32>} : memref<112xi32, #tpu.memory_space<vmem>>, vector<16xi32>,
        %shift_right_arithmetic3A_253 = arith.constant 16 : i32
        %shift_right_arithmetic3A_254 = vector.broadcast %shift_right_arithmetic3A_253 : i32 to vector<16xi32>
        %shift_right_arithmetic3A_255 = arith.shrsi %get3A_241, %shift_right_arithmetic3A_254 : vector<16xi32>
        %swap3A_256 = arith.constant 1 : i32
        %swap3A_257 = arith.constant 0 : i32
        %swap3A_258 = tpu.memref_slice %arg9[%swap3A_256, %swap3A_257] : memref<2x112xi32, #tpu.memory_space<vmem>> -> memref<1x112xi32, #tpu.memory_space<vmem>>
        %swap3A_259 = tpu.memref_squeeze %swap3A_258 : memref<1x112xi32, #tpu.memory_space<vmem>> -> memref<112xi32, #tpu.memory_space<vmem>>
        %swap3A_260 = arith.constant 0 : index
        %swap3A_261 = tpu.vector_load %swap3A_259[%swap3A_260] {strides = array<i32>} : memref<112xi32, #tpu.memory_space<vmem>>, vector<16xi32>,
        %swap3A_262 = vector.shape_cast %swap3A_261 : vector<16xi32> to vector<16xi32>
        %swap3A_263 = vector.shape_cast %shift_right_arithmetic3A_255 : vector<16xi32> to vector<16xi32>
        tpu.vector_store %swap3A_259[%swap3A_260], %swap3A_263 {strides = array<i32>} : memref<112xi32, #tpu.memory_space<vmem>>, vector<16xi32>,
        %get3A_264 = arith.constant 0 : i32
        %get3A_265 = tpu.memref_slice %arg7[%add3A_235, %get3A_264] : memref<149x112xi32, #tpu.memory_space<vmem>> -> memref<1x112xi32, #tpu.memory_space<vmem>>
        %get3A_266 = tpu.memref_squeeze %get3A_265 : memref<1x112xi32, #tpu.memory_space<vmem>> -> memref<112xi32, #tpu.memory_space<vmem>>
        %get3A_267 = arith.constant 16 : index
        %get3A_268 = tpu.vector_load %get3A_266[%get3A_267] {strides = array<i32>} : memref<112xi32, #tpu.memory_space<vmem>>, vector<16xi32>,
        %get3A_269 = vector.shape_cast %get3A_268 : vector<16xi32> to vector<16xi32>
        %and3A_270 = arith.constant 65535 : i32
        %and3A_271 = vector.broadcast %and3A_270 : i32 to vector<16xi32>
        %and3A_272 = arith.andi %get3A_269, %and3A_271 : vector<16xi32>
        %swap3A_273 = arith.constant 0 : i32
        %swap3A_274 = arith.constant 0 : i32
        %swap3A_275 = tpu.memref_slice %arg9[%swap3A_273, %swap3A_274] : memref<2x112xi32, #tpu.memory_space<vmem>> -> memref<1x112xi32, #tpu.memory_space<vmem>>
        %swap3A_276 = tpu.memref_squeeze %swap3A_275 : memref<1x112xi32, #tpu.memory_space<vmem>> -> memref<112xi32, #tpu.memory_space<vmem>>
        %swap3A_277 = arith.constant 16 : index
        %swap3A_278 = tpu.vector_load %swap3A_276[%swap3A_277] {strides = array<i32>} : memref<112xi32, #tpu.memory_space<vmem>>, vector<16xi32>,
        %swap3A_279 = vector.shape_cast %swap3A_278 : vector<16xi32> to vector<16xi32>
        %swap3A_280 = vector.shape_cast %and3A_272 : vector<16xi32> to vector<16xi32>
        tpu.vector_store %swap3A_276[%swap3A_277], %swap3A_280 {strides = array<i32>} : memref<112xi32, #tpu.memory_space<vmem>>, vector<16xi32>,
        %shift_right_arithmetic3A_281 = arith.constant 16 : i32
        %shift_right_arithmetic3A_282 = vector.broadcast %shift_right_arithmetic3A_281 : i32 to vector<16xi32>
        %shift_right_arithmetic3A_283 = arith.shrsi %get3A_269, %shift_right_arithmetic3A_282 : vector<16xi32>
        %swap3A_284 = arith.constant 1 : i32
        %swap3A_285 = arith.constant 0 : i32
        %swap3A_286 = tpu.memref_slice %arg9[%swap3A_284, %swap3A_285] : memref<2x112xi32, #tpu.memory_space<vmem>> -> memref<1x112xi32, #tpu.memory_space<vmem>>
        %swap3A_287 = tpu.memref_squeeze %swap3A_286 : memref<1x112xi32, #tpu.memory_space<vmem>> -> memref<112xi32, #tpu.memory_space<vmem>>
        %swap3A_288 = arith.constant 16 : index
        %swap3A_289 = tpu.vector_load %swap3A_287[%swap3A_288] {strides = array<i32>} : memref<112xi32, #tpu.memory_space<vmem>>, vector<16xi32>,
        %swap3A_290 = vector.shape_cast %swap3A_289 : vector<16xi32> to vector<16xi32>
        %swap3A_291 = vector.shape_cast %shift_right_arithmetic3A_283 : vector<16xi32> to vector<16xi32>
        tpu.vector_store %swap3A_287[%swap3A_288], %swap3A_291 {strides = array<i32>} : memref<112xi32, #tpu.memory_space<vmem>>, vector<16xi32>,
        %get3A_292 = arith.constant 0 : i32
        %get3A_293 = tpu.memref_slice %arg7[%add3A_235, %get3A_292] : memref<149x112xi32, #tpu.memory_space<vmem>> -> memref<1x112xi32, #tpu.memory_space<vmem>>
        %get3A_294 = tpu.memref_squeeze %get3A_293 : memref<1x112xi32, #tpu.memory_space<vmem>> -> memref<112xi32, #tpu.memory_space<vmem>>
        %get3A_295 = arith.constant 32 : index
        %get3A_296 = tpu.vector_load %get3A_294[%get3A_295] {strides = array<i32>} : memref<112xi32, #tpu.memory_space<vmem>>, vector<16xi32>,
        %get3A_297 = vector.shape_cast %get3A_296 : vector<16xi32> to vector<16xi32>
        %and3A_298 = arith.constant 65535 : i32
        %and3A_299 = vector.broadcast %and3A_298 : i32 to vector<16xi32>
        %and3A_300 = arith.andi %get3A_297, %and3A_299 : vector<16xi32>
        %swap3A_301 = arith.constant 0 : i32
        %swap3A_302 = arith.constant 0 : i32
        %swap3A_303 = tpu.memref_slice %arg9[%swap3A_301, %swap3A_302] : memref<2x112xi32, #tpu.memory_space<vmem>> -> memref<1x112xi32, #tpu.memory_space<vmem>>
        %swap3A_304 = tpu.memref_squeeze %swap3A_303 : memref<1x112xi32, #tpu.memory_space<vmem>> -> memref<112xi32, #tpu.memory_space<vmem>>
        %swap3A_305 = arith.constant 32 : index
        %swap3A_306 = tpu.vector_load %swap3A_304[%swap3A_305] {strides = array<i32>} : memref<112xi32, #tpu.memory_space<vmem>>, vector<16xi32>,
        %swap3A_307 = vector.shape_cast %swap3A_306 : vector<16xi32> to vector<16xi32>
        %swap3A_308 = vector.shape_cast %and3A_300 : vector<16xi32> to vector<16xi32>
        tpu.vector_store %swap3A_304[%swap3A_305], %swap3A_308 {strides = array<i32>} : memref<112xi32, #tpu.memory_space<vmem>>, vector<16xi32>,
        %shift_right_arithmetic3A_309 = arith.constant 16 : i32
        %shift_right_arithmetic3A_310 = vector.broadcast %shift_right_arithmetic3A_309 : i32 to vector<16xi32>
        %shift_right_arithmetic3A_311 = arith.shrsi %get3A_297, %shift_right_arithmetic3A_310 : vector<16xi32>
        %swap3A_312 = arith.constant 1 : i32
        %swap3A_313 = arith.constant 0 : i32
        %swap3A_314 = tpu.memref_slice %arg9[%swap3A_312, %swap3A_313] : memref<2x112xi32, #tpu.memory_space<vmem>> -> memref<1x112xi32, #tpu.memory_space<vmem>>
        %swap3A_315 = tpu.memref_squeeze %swap3A_314 : memref<1x112xi32, #tpu.memory_space<vmem>> -> memref<112xi32, #tpu.memory_space<vmem>>
        %swap3A_316 = arith.constant 32 : index
        %swap3A_317 = tpu.vector_load %swap3A_315[%swap3A_316] {strides = array<i32>} : memref<112xi32, #tpu.memory_space<vmem>>, vector<16xi32>,
        %swap3A_318 = vector.shape_cast %swap3A_317 : vector<16xi32> to vector<16xi32>
        %swap3A_319 = vector.shape_cast %shift_right_arithmetic3A_311 : vector<16xi32> to vector<16xi32>
        tpu.vector_store %swap3A_315[%swap3A_316], %swap3A_319 {strides = array<i32>} : memref<112xi32, #tpu.memory_space<vmem>>, vector<16xi32>,
        %get3A_320 = arith.constant 0 : i32
        %get3A_321 = tpu.memref_slice %arg7[%add3A_235, %get3A_320] : memref<149x112xi32, #tpu.memory_space<vmem>> -> memref<1x112xi32, #tpu.memory_space<vmem>>
        %get3A_322 = tpu.memref_squeeze %get3A_321 : memref<1x112xi32, #tpu.memory_space<vmem>> -> memref<112xi32, #tpu.memory_space<vmem>>
        %get3A_323 = arith.constant 48 : index
        %get3A_324 = tpu.vector_load %get3A_322[%get3A_323] {strides = array<i32>} : memref<112xi32, #tpu.memory_space<vmem>>, vector<16xi32>,
        %get3A_325 = vector.shape_cast %get3A_324 : vector<16xi32> to vector<16xi32>
        %and3A_326 = arith.constant 65535 : i32
        %and3A_327 = vector.broadcast %and3A_326 : i32 to vector<16xi32>
        %and3A_328 = arith.andi %get3A_325, %and3A_327 : vector<16xi32>
        %swap3A_329 = arith.constant 0 : i32
        %swap3A_330 = arith.constant 0 : i32
        %swap3A_331 = tpu.memref_slice %arg9[%swap3A_329, %swap3A_330] : memref<2x112xi32, #tpu.memory_space<vmem>> -> memref<1x112xi32, #tpu.memory_space<vmem>>
        %swap3A_332 = tpu.memref_squeeze %swap3A_331 : memref<1x112xi32, #tpu.memory_space<vmem>> -> memref<112xi32, #tpu.memory_space<vmem>>
        %swap3A_333 = arith.constant 48 : index
        %swap3A_334 = tpu.vector_load %swap3A_332[%swap3A_333] {strides = array<i32>} : memref<112xi32, #tpu.memory_space<vmem>>, vector<16xi32>,
        %swap3A_335 = vector.shape_cast %swap3A_334 : vector<16xi32> to vector<16xi32>
        %swap3A_336 = vector.shape_cast %and3A_328 : vector<16xi32> to vector<16xi32>
        tpu.vector_store %swap3A_332[%swap3A_333], %swap3A_336 {strides = array<i32>} : memref<112xi32, #tpu.memory_space<vmem>>, vector<16xi32>,
        %shift_right_arithmetic3A_337 = arith.constant 16 : i32
        %shift_right_arithmetic3A_338 = vector.broadcast %shift_right_arithmetic3A_337 : i32 to vector<16xi32>
        %shift_right_arithmetic3A_339 = arith.shrsi %get3A_325, %shift_right_arithmetic3A_338 : vector<16xi32>
        %swap3A_340 = arith.constant 1 : i32
        %swap3A_341 = arith.constant 0 : i32
        %swap3A_342 = tpu.memref_slice %arg9[%swap3A_340, %swap3A_341] : memref<2x112xi32, #tpu.memory_space<vmem>> -> memref<1x112xi32, #tpu.memory_space<vmem>>
        %swap3A_343 = tpu.memref_squeeze %swap3A_342 : memref<1x112xi32, #tpu.memory_space<vmem>> -> memref<112xi32, #tpu.memory_space<vmem>>
        %swap3A_344 = arith.constant 48 : index
        %swap3A_345 = tpu.vector_load %swap3A_343[%swap3A_344] {strides = array<i32>} : memref<112xi32, #tpu.memory_space<vmem>>, vector<16xi32>,
        %swap3A_346 = vector.shape_cast %swap3A_345 : vector<16xi32> to vector<16xi32>
        %swap3A_347 = vector.shape_cast %shift_right_arithmetic3A_339 : vector<16xi32> to vector<16xi32>
        tpu.vector_store %swap3A_343[%swap3A_344], %swap3A_347 {strides = array<i32>} : memref<112xi32, #tpu.memory_space<vmem>>, vector<16xi32>,
        %get3A_348 = arith.constant 0 : i32
        %get3A_349 = tpu.memref_slice %arg7[%add3A_235, %get3A_348] : memref<149x112xi32, #tpu.memory_space<vmem>> -> memref<1x112xi32, #tpu.memory_space<vmem>>
        %get3A_350 = tpu.memref_squeeze %get3A_349 : memref<1x112xi32, #tpu.memory_space<vmem>> -> memref<112xi32, #tpu.memory_space<vmem>>
        %get3A_351 = arith.constant 64 : index
        %get3A_352 = tpu.vector_load %get3A_350[%get3A_351] {strides = array<i32>} : memref<112xi32, #tpu.memory_space<vmem>>, vector<16xi32>,
        %get3A_353 = vector.shape_cast %get3A_352 : vector<16xi32> to vector<16xi32>
        %and3A_354 = arith.constant 65535 : i32
        %and3A_355 = vector.broadcast %and3A_354 : i32 to vector<16xi32>
        %and3A_356 = arith.andi %get3A_353, %and3A_355 : vector<16xi32>
        %swap3A_357 = arith.constant 0 : i32
        %swap3A_358 = arith.constant 0 : i32
        %swap3A_359 = tpu.memref_slice %arg9[%swap3A_357, %swap3A_358] : memref<2x112xi32, #tpu.memory_space<vmem>> -> memref<1x112xi32, #tpu.memory_space<vmem>>
        %swap3A_360 = tpu.memref_squeeze %swap3A_359 : memref<1x112xi32, #tpu.memory_space<vmem>> -> memref<112xi32, #tpu.memory_space<vmem>>
        %swap3A_361 = arith.constant 64 : index
        %swap3A_362 = tpu.vector_load %swap3A_360[%swap3A_361] {strides = array<i32>} : memref<112xi32, #tpu.memory_space<vmem>>, vector<16xi32>,
        %swap3A_363 = vector.shape_cast %swap3A_362 : vector<16xi32> to vector<16xi32>
        %swap3A_364 = vector.shape_cast %and3A_356 : vector<16xi32> to vector<16xi32>
        tpu.vector_store %swap3A_360[%swap3A_361], %swap3A_364 {strides = array<i32>} : memref<112xi32, #tpu.memory_space<vmem>>, vector<16xi32>,
        %shift_right_arithmetic3A_365 = arith.constant 16 : i32
        %shift_right_arithmetic3A_366 = vector.broadcast %shift_right_arithmetic3A_365 : i32 to vector<16xi32>
        %shift_right_arithmetic3A_367 = arith.shrsi %get3A_353, %shift_right_arithmetic3A_366 : vector<16xi32>
        %swap3A_368 = arith.constant 1 : i32
        %swap3A_369 = arith.constant 0 : i32
        %swap3A_370 = tpu.memref_slice %arg9[%swap3A_368, %swap3A_369] : memref<2x112xi32, #tpu.memory_space<vmem>> -> memref<1x112xi32, #tpu.memory_space<vmem>>
        %swap3A_371 = tpu.memref_squeeze %swap3A_370 : memref<1x112xi32, #tpu.memory_space<vmem>> -> memref<112xi32, #tpu.memory_space<vmem>>
        %swap3A_372 = arith.constant 64 : index
        %swap3A_373 = tpu.vector_load %swap3A_371[%swap3A_372] {strides = array<i32>} : memref<112xi32, #tpu.memory_space<vmem>>, vector<16xi32>,
        %swap3A_374 = vector.shape_cast %swap3A_373 : vector<16xi32> to vector<16xi32>
        %swap3A_375 = vector.shape_cast %shift_right_arithmetic3A_367 : vector<16xi32> to vector<16xi32>
        tpu.vector_store %swap3A_371[%swap3A_372], %swap3A_375 {strides = array<i32>} : memref<112xi32, #tpu.memory_space<vmem>>, vector<16xi32>,
        %get3A_376 = arith.constant 0 : i32
        %get3A_377 = tpu.memref_slice %arg7[%add3A_235, %get3A_376] : memref<149x112xi32, #tpu.memory_space<vmem>> -> memref<1x112xi32, #tpu.memory_space<vmem>>
        %get3A_378 = tpu.memref_squeeze %get3A_377 : memref<1x112xi32, #tpu.memory_space<vmem>> -> memref<112xi32, #tpu.memory_space<vmem>>
        %get3A_379 = arith.constant 80 : index
        %get3A_380 = tpu.vector_load %get3A_378[%get3A_379] {strides = array<i32>} : memref<112xi32, #tpu.memory_space<vmem>>, vector<16xi32>,
        %get3A_381 = vector.shape_cast %get3A_380 : vector<16xi32> to vector<16xi32>
        %and3A_382 = arith.constant 65535 : i32
        %and3A_383 = vector.broadcast %and3A_382 : i32 to vector<16xi32>
        %and3A_384 = arith.andi %get3A_381, %and3A_383 : vector<16xi32>
        %swap3A_385 = arith.constant 0 : i32
        %swap3A_386 = arith.constant 0 : i32
        %swap3A_387 = tpu.memref_slice %arg9[%swap3A_385, %swap3A_386] : memref<2x112xi32, #tpu.memory_space<vmem>> -> memref<1x112xi32, #tpu.memory_space<vmem>>
        %swap3A_388 = tpu.memref_squeeze %swap3A_387 : memref<1x112xi32, #tpu.memory_space<vmem>> -> memref<112xi32, #tpu.memory_space<vmem>>
        %swap3A_389 = arith.constant 80 : index
        %swap3A_390 = tpu.vector_load %swap3A_388[%swap3A_389] {strides = array<i32>} : memref<112xi32, #tpu.memory_space<vmem>>, vector<16xi32>,
        %swap3A_391 = vector.shape_cast %swap3A_390 : vector<16xi32> to vector<16xi32>
        %swap3A_392 = vector.shape_cast %and3A_384 : vector<16xi32> to vector<16xi32>
        tpu.vector_store %swap3A_388[%swap3A_389], %swap3A_392 {strides = array<i32>} : memref<112xi32, #tpu.memory_space<vmem>>, vector<16xi32>,
        %shift_right_arithmetic3A_393 = arith.constant 16 : i32
        %shift_right_arithmetic3A_394 = vector.broadcast %shift_right_arithmetic3A_393 : i32 to vector<16xi32>
        %shift_right_arithmetic3A_395 = arith.shrsi %get3A_381, %shift_right_arithmetic3A_394 : vector<16xi32>
        %swap3A_396 = arith.constant 1 : i32
        %swap3A_397 = arith.constant 0 : i32
        %swap3A_398 = tpu.memref_slice %arg9[%swap3A_396, %swap3A_397] : memref<2x112xi32, #tpu.memory_space<vmem>> -> memref<1x112xi32, #tpu.memory_space<vmem>>
        %swap3A_399 = tpu.memref_squeeze %swap3A_398 : memref<1x112xi32, #tpu.memory_space<vmem>> -> memref<112xi32, #tpu.memory_space<vmem>>
        %swap3A_400 = arith.constant 80 : index
        %swap3A_401 = tpu.vector_load %swap3A_399[%swap3A_400] {strides = array<i32>} : memref<112xi32, #tpu.memory_space<vmem>>, vector<16xi32>,
        %swap3A_402 = vector.shape_cast %swap3A_401 : vector<16xi32> to vector<16xi32>
        %swap3A_403 = vector.shape_cast %shift_right_arithmetic3A_395 : vector<16xi32> to vector<16xi32>
        tpu.vector_store %swap3A_399[%swap3A_400], %swap3A_403 {strides = array<i32>} : memref<112xi32, #tpu.memory_space<vmem>>, vector<16xi32>,
        %get3A_404 = arith.constant 0 : i32
        %get3A_405 = tpu.memref_slice %arg7[%add3A_235, %get3A_404] : memref<149x112xi32, #tpu.memory_space<vmem>> -> memref<1x112xi32, #tpu.memory_space<vmem>>
        %get3A_406 = tpu.memref_squeeze %get3A_405 : memref<1x112xi32, #tpu.memory_space<vmem>> -> memref<112xi32, #tpu.memory_space<vmem>>
        %get3A_407 = arith.constant 96 : index
        %get3A_408 = tpu.vector_load %get3A_406[%get3A_407] {strides = array<i32>} : memref<112xi32, #tpu.memory_space<vmem>>, vector<16xi32>,
        %get3A_409 = vector.shape_cast %get3A_408 : vector<16xi32> to vector<16xi32>
        %and3A_410 = arith.constant 65535 : i32
        %and3A_411 = vector.broadcast %and3A_410 : i32 to vector<16xi32>
        %and3A_412 = arith.andi %get3A_409, %and3A_411 : vector<16xi32>
        %swap3A_413 = arith.constant 0 : i32
        %swap3A_414 = arith.constant 0 : i32
        %swap3A_415 = tpu.memref_slice %arg9[%swap3A_413, %swap3A_414] : memref<2x112xi32, #tpu.memory_space<vmem>> -> memref<1x112xi32, #tpu.memory_space<vmem>>
        %swap3A_416 = tpu.memref_squeeze %swap3A_415 : memref<1x112xi32, #tpu.memory_space<vmem>> -> memref<112xi32, #tpu.memory_space<vmem>>
        %swap3A_417 = arith.constant 96 : index
        %swap3A_418 = tpu.vector_load %swap3A_416[%swap3A_417] {strides = array<i32>} : memref<112xi32, #tpu.memory_space<vmem>>, vector<16xi32>,
        %swap3A_419 = vector.shape_cast %swap3A_418 : vector<16xi32> to vector<16xi32>
        %swap3A_420 = vector.shape_cast %and3A_412 : vector<16xi32> to vector<16xi32>
        tpu.vector_store %swap3A_416[%swap3A_417], %swap3A_420 {strides = array<i32>} : memref<112xi32, #tpu.memory_space<vmem>>, vector<16xi32>,
        %shift_right_arithmetic3A_421 = arith.constant 16 : i32
        %shift_right_arithmetic3A_422 = vector.broadcast %shift_right_arithmetic3A_421 : i32 to vector<16xi32>
        %shift_right_arithmetic3A_423 = arith.shrsi %get3A_409, %shift_right_arithmetic3A_422 : vector<16xi32>
        %swap3A_424 = arith.constant 1 : i32
        %swap3A_425 = arith.constant 0 : i32
        %swap3A_426 = tpu.memref_slice %arg9[%swap3A_424, %swap3A_425] : memref<2x112xi32, #tpu.memory_space<vmem>> -> memref<1x112xi32, #tpu.memory_space<vmem>>
        %swap3A_427 = tpu.memref_squeeze %swap3A_426 : memref<1x112xi32, #tpu.memory_space<vmem>> -> memref<112xi32, #tpu.memory_space<vmem>>
        %swap3A_428 = arith.constant 96 : index
        %swap3A_429 = tpu.vector_load %swap3A_427[%swap3A_428] {strides = array<i32>} : memref<112xi32, #tpu.memory_space<vmem>>, vector<16xi32>,
        %swap3A_430 = vector.shape_cast %swap3A_429 : vector<16xi32> to vector<16xi32>
        %swap3A_431 = vector.shape_cast %shift_right_arithmetic3A_423 : vector<16xi32> to vector<16xi32>
        tpu.vector_store %swap3A_427[%swap3A_428], %swap3A_431 {strides = array<i32>} : memref<112xi32, #tpu.memory_space<vmem>>, vector<16xi32>,
        %dma_start3A_432 = arith.constant 0 : i32
        %dma_start3A_433 = arith.constant 0 : i32
        %dma_start3A_434 = tpu.memref_slice %arg9[%dma_start3A_432, %dma_start3A_433] : memref<2x112xi32, #tpu.memory_space<vmem>> -> memref<1x112xi32, #tpu.memory_space<vmem>>
        %dma_start3A_435 = tpu.memref_squeeze %dma_start3A_434 : memref<1x112xi32, #tpu.memory_space<vmem>> -> memref<112xi32, #tpu.memory_space<vmem>>
        %dma_start3A_436 = arith.constant 0 : i32
        %dma_start3A_437 = arith.constant 0 : i32
        %dma_start3A_438 = tpu.memref_slice %arg2[%dma_start3A_436, %dma_start3A_437] : memref<10000x128xf32, #tpu.memory_space<hbm>> -> memref<10000x128xf32, #tpu.memory_space<hbm>>
        tpu.enqueue_indirect_dma source(%dma_start3A_438 : memref<10000x128xf32, #tpu.memory_space<hbm>>) target(%arg11 : memref<112x128xf32, #tpu.memory_space<vmem>>) offsets(%dma_start3A_435 : memref<112xi32, #tpu.memory_space<vmem>>) semaphore(%arg14 : memref<!tpu.dma_semaphore, #tpu.memory_space<semaphore_mem>>)
        %dma_wait3A_439 = arith.constant 0 : i32
        %dma_wait3A_440 = arith.constant 0 : i32
        %dma_wait3A_441 = tpu.memref_slice %arg8[%dma_wait3A_439, %dma_wait3A_440] : memref<2x112xi32, #tpu.memory_space<vmem>> -> memref<1x112xi32, #tpu.memory_space<vmem>>
        %dma_wait3A_442 = tpu.memref_squeeze %dma_wait3A_441 : memref<1x112xi32, #tpu.memory_space<vmem>> -> memref<112xi32, #tpu.memory_space<vmem>>
        %dma_wait3A_443 = arith.constant 0 : i32
        %dma_wait3A_444 = arith.constant 0 : i32
        %dma_wait3A_445 = tpu.memref_slice %arg2[%dma_wait3A_443, %dma_wait3A_444] : memref<10000x128xf32, #tpu.memory_space<hbm>> -> memref<10000x128xf32, #tpu.memory_space<hbm>>
        tpu.wait_indirect_dma semaphore(%arg13 : memref<!tpu.dma_semaphore, #tpu.memory_space<semaphore_mem>>) src(%dma_wait3A_445 : memref<10000x128xf32, #tpu.memory_space<hbm>>) dst(%arg10 : memref<112x128xf32, #tpu.memory_space<vmem>>)
        %run_scoped3A_446 = arith.constant 1 : i32
        "tpu.region"() ({
          %run_scoped3A_660 = tpu.sem_alloc : memref<!tpu.dma_semaphore, #tpu.memory_space<semaphore_mem>>
          %dma_start3A_661 = arith.constant 0 : i32
          %dma_start3A_662 = tpu.memref_slice %arg8[%run_scoped3A_446, %dma_start3A_661] : memref<2x112xi32, #tpu.memory_space<vmem>> -> memref<1x112xi32, #tpu.memory_space<vmem>>
          %dma_start3A_663 = tpu.memref_squeeze %dma_start3A_662 : memref<1x112xi32, #tpu.memory_space<vmem>> -> memref<112xi32, #tpu.memory_space<vmem>>
          %dma_start3A_664 = arith.constant 0 : i32
          %dma_start3A_665 = arith.constant 0 : i32
          %dma_start3A_666 = tpu.memref_slice %arg12[%dma_start3A_664, %dma_start3A_665] : memref<10112x128xf32, #tpu.memory_space<vmem_shared>> -> memref<10112x128xf32, #tpu.memory_space<vmem_shared>>
          tpu.enqueue_indirect_dma source(%arg10 : memref<112x128xf32, #tpu.memory_space<vmem>>) target(%dma_start3A_666 : memref<10112x128xf32, #tpu.memory_space<vmem_shared>>) offsets(%dma_start3A_663 : memref<112xi32, #tpu.memory_space<vmem>>) semaphore(%run_scoped3A_660 : memref<!tpu.dma_semaphore, #tpu.memory_space<semaphore_mem>>) {add = true}
          %dma_wait3A_667 = arith.constant 0 : i32
          %dma_wait3A_668 = tpu.memref_slice %arg8[%run_scoped3A_446, %dma_wait3A_667] : memref<2x112xi32, #tpu.memory_space<vmem>> -> memref<1x112xi32, #tpu.memory_space<vmem>>
          %dma_wait3A_669 = tpu.memref_squeeze %dma_wait3A_668 : memref<1x112xi32, #tpu.memory_space<vmem>> -> memref<112xi32, #tpu.memory_space<vmem>>
          %dma_wait3A_670 = arith.constant 0 : i32
          %dma_wait3A_671 = arith.constant 0 : i32
          %dma_wait3A_672 = tpu.memref_slice %arg12[%dma_wait3A_670, %dma_wait3A_671] : memref<10112x128xf32, #tpu.memory_space<vmem_shared>> -> memref<10112x128xf32, #tpu.memory_space<vmem_shared>>
          tpu.wait_indirect_dma semaphore(%run_scoped3A_660 : memref<!tpu.dma_semaphore, #tpu.memory_space<semaphore_mem>>) src(%arg10 : memref<112x128xf32, #tpu.memory_space<vmem>>) dst(%dma_wait3A_672 : memref<10112x128xf32, #tpu.memory_space<vmem_shared>>)
          tpu.yield
        }) : () -> ()
        %add3A_447 = arith.constant 2 : i32
        %add3A_448 = arith.addi %add3A_233, %add3A_447 : i32
        %get3A_449 = arith.constant 0 : i32
        %get3A_450 = tpu.memref_slice %arg7[%add3A_448, %get3A_449] : memref<149x112xi32, #tpu.memory_space<vmem>> -> memref<1x112xi32, #tpu.memory_space<vmem>>
        %get3A_451 = tpu.memref_squeeze %get3A_450 : memref<1x112xi32, #tpu.memory_space<vmem>> -> memref<112xi32, #tpu.memory_space<vmem>>
        %get3A_452 = arith.constant 0 : index
        %get3A_453 = tpu.vector_load %get3A_451[%get3A_452] {strides = array<i32>} : memref<112xi32, #tpu.memory_space<vmem>>, vector<16xi32>,
        %get3A_454 = vector.shape_cast %get3A_453 : vector<16xi32> to vector<16xi32>
        %and3A_455 = arith.constant 65535 : i32
        %and3A_456 = vector.broadcast %and3A_455 : i32 to vector<16xi32>
        %and3A_457 = arith.andi %get3A_454, %and3A_456 : vector<16xi32>
        %swap3A_458 = arith.constant 0 : i32
        %swap3A_459 = arith.constant 0 : i32
        %swap3A_460 = tpu.memref_slice %arg8[%swap3A_458, %swap3A_459] : memref<2x112xi32, #tpu.memory_space<vmem>> -> memref<1x112xi32, #tpu.memory_space<vmem>>
        %swap3A_461 = tpu.memref_squeeze %swap3A_460 : memref<1x112xi32, #tpu.memory_space<vmem>> -> memref<112xi32, #tpu.memory_space<vmem>>
        %swap3A_462 = arith.constant 0 : index
        %swap3A_463 = tpu.vector_load %swap3A_461[%swap3A_462] {strides = array<i32>} : memref<112xi32, #tpu.memory_space<vmem>>, vector<16xi32>,
        %swap3A_464 = vector.shape_cast %swap3A_463 : vector<16xi32> to vector<16xi32>
        %swap3A_465 = vector.shape_cast %and3A_457 : vector<16xi32> to vector<16xi32>
        tpu.vector_store %swap3A_461[%swap3A_462], %swap3A_465 {strides = array<i32>} : memref<112xi32, #tpu.memory_space<vmem>>, vector<16xi32>,
        %shift_right_arithmetic3A_466 = arith.constant 16 : i32
        %shift_right_arithmetic3A_467 = vector.broadcast %shift_right_arithmetic3A_466 : i32 to vector<16xi32>
        %shift_right_arithmetic3A_468 = arith.shrsi %get3A_454, %shift_right_arithmetic3A_467 : vector<16xi32>
        %swap3A_469 = arith.constant 1 : i32
        %swap3A_470 = arith.constant 0 : i32
        %swap3A_471 = tpu.memref_slice %arg8[%swap3A_469, %swap3A_470] : memref<2x112xi32, #tpu.memory_space<vmem>> -> memref<1x112xi32, #tpu.memory_space<vmem>>
        %swap3A_472 = tpu.memref_squeeze %swap3A_471 : memref<1x112xi32, #tpu.memory_space<vmem>> -> memref<112xi32, #tpu.memory_space<vmem>>
        %swap3A_473 = arith.constant 0 : index
        %swap3A_474 = tpu.vector_load %swap3A_472[%swap3A_473] {strides = array<i32>} : memref<112xi32, #tpu.memory_space<vmem>>, vector<16xi32>,
        %swap3A_475 = vector.shape_cast %swap3A_474 : vector<16xi32> to vector<16xi32>
        %swap3A_476 = vector.shape_cast %shift_right_arithmetic3A_468 : vector<16xi32> to vector<16xi32>
        tpu.vector_store %swap3A_472[%swap3A_473], %swap3A_476 {strides = array<i32>} : memref<112xi32, #tpu.memory_space<vmem>>, vector<16xi32>,
        %get3A_477 = arith.constant 0 : i32
        %get3A_478 = tpu.memref_slice %arg7[%add3A_448, %get3A_477] : memref<149x112xi32, #tpu.memory_space<vmem>> -> memref<1x112xi32, #tpu.memory_space<vmem>>
        %get3A_479 = tpu.memref_squeeze %get3A_478 : memref<1x112xi32, #tpu.memory_space<vmem>> -> memref<112xi32, #tpu.memory_space<vmem>>
        %get3A_480 = arith.constant 16 : index
        %get3A_481 = tpu.vector_load %get3A_479[%get3A_480] {strides = array<i32>} : memref<112xi32, #tpu.memory_space<vmem>>, vector<16xi32>,
        %get3A_482 = vector.shape_cast %get3A_481 : vector<16xi32> to vector<16xi32>
        %and3A_483 = arith.constant 65535 : i32
        %and3A_484 = vector.broadcast %and3A_483 : i32 to vector<16xi32>
        %and3A_485 = arith.andi %get3A_482, %and3A_484 : vector<16xi32>
        %swap3A_486 = arith.constant 0 : i32
        %swap3A_487 = arith.constant 0 : i32
        %swap3A_488 = tpu.memref_slice %arg8[%swap3A_486, %swap3A_487] : memref<2x112xi32, #tpu.memory_space<vmem>> -> memref<1x112xi32, #tpu.memory_space<vmem>>
        %swap3A_489 = tpu.memref_squeeze %swap3A_488 : memref<1x112xi32, #tpu.memory_space<vmem>> -> memref<112xi32, #tpu.memory_space<vmem>>
        %swap3A_490 = arith.constant 16 : index
        %swap3A_491 = tpu.vector_load %swap3A_489[%swap3A_490] {strides = array<i32>} : memref<112xi32, #tpu.memory_space<vmem>>, vector<16xi32>,
        %swap3A_492 = vector.shape_cast %swap3A_491 : vector<16xi32> to vector<16xi32>
        %swap3A_493 = vector.shape_cast %and3A_485 : vector<16xi32> to vector<16xi32>
        tpu.vector_store %swap3A_489[%swap3A_490], %swap3A_493 {strides = array<i32>} : memref<112xi32, #tpu.memory_space<vmem>>, vector<16xi32>,
        %shift_right_arithmetic3A_494 = arith.constant 16 : i32
        %shift_right_arithmetic3A_495 = vector.broadcast %shift_right_arithmetic3A_494 : i32 to vector<16xi32>
        %shift_right_arithmetic3A_496 = arith.shrsi %get3A_482, %shift_right_arithmetic3A_495 : vector<16xi32>
        %swap3A_497 = arith.constant 1 : i32
        %swap3A_498 = arith.constant 0 : i32
        %swap3A_499 = tpu.memref_slice %arg8[%swap3A_497, %swap3A_498] : memref<2x112xi32, #tpu.memory_space<vmem>> -> memref<1x112xi32, #tpu.memory_space<vmem>>
        %swap3A_500 = tpu.memref_squeeze %swap3A_499 : memref<1x112xi32, #tpu.memory_space<vmem>> -> memref<112xi32, #tpu.memory_space<vmem>>
        %swap3A_501 = arith.constant 16 : index
        %swap3A_502 = tpu.vector_load %swap3A_500[%swap3A_501] {strides = array<i32>} : memref<112xi32, #tpu.memory_space<vmem>>, vector<16xi32>,
        %swap3A_503 = vector.shape_cast %swap3A_502 : vector<16xi32> to vector<16xi32>
        %swap3A_504 = vector.shape_cast %shift_right_arithmetic3A_496 : vector<16xi32> to vector<16xi32>
        tpu.vector_store %swap3A_500[%swap3A_501], %swap3A_504 {strides = array<i32>} : memref<112xi32, #tpu.memory_space<vmem>>, vector<16xi32>,
        %get3A_505 = arith.constant 0 : i32
        %get3A_506 = tpu.memref_slice %arg7[%add3A_448, %get3A_505] : memref<149x112xi32, #tpu.memory_space<vmem>> -> memref<1x112xi32, #tpu.memory_space<vmem>>
        %get3A_507 = tpu.memref_squeeze %get3A_506 : memref<1x112xi32, #tpu.memory_space<vmem>> -> memref<112xi32, #tpu.memory_space<vmem>>
        %get3A_508 = arith.constant 32 : index
        %get3A_509 = tpu.vector_load %get3A_507[%get3A_508] {strides = array<i32>} : memref<112xi32, #tpu.memory_space<vmem>>, vector<16xi32>,
        %get3A_510 = vector.shape_cast %get3A_509 : vector<16xi32> to vector<16xi32>
        %and3A_511 = arith.constant 65535 : i32
        %and3A_512 = vector.broadcast %and3A_511 : i32 to vector<16xi32>
        %and3A_513 = arith.andi %get3A_510, %and3A_512 : vector<16xi32>
        %swap3A_514 = arith.constant 0 : i32
        %swap3A_515 = arith.constant 0 : i32
        %swap3A_516 = tpu.memref_slice %arg8[%swap3A_514, %swap3A_515] : memref<2x112xi32, #tpu.memory_space<vmem>> -> memref<1x112xi32, #tpu.memory_space<vmem>>
        %swap3A_517 = tpu.memref_squeeze %swap3A_516 : memref<1x112xi32, #tpu.memory_space<vmem>> -> memref<112xi32, #tpu.memory_space<vmem>>
        %swap3A_518 = arith.constant 32 : index
        %swap3A_519 = tpu.vector_load %swap3A_517[%swap3A_518] {strides = array<i32>} : memref<112xi32, #tpu.memory_space<vmem>>, vector<16xi32>,
        %swap3A_520 = vector.shape_cast %swap3A_519 : vector<16xi32> to vector<16xi32>
        %swap3A_521 = vector.shape_cast %and3A_513 : vector<16xi32> to vector<16xi32>
        tpu.vector_store %swap3A_517[%swap3A_518], %swap3A_521 {strides = array<i32>} : memref<112xi32, #tpu.memory_space<vmem>>, vector<16xi32>,
        %shift_right_arithmetic3A_522 = arith.constant 16 : i32
        %shift_right_arithmetic3A_523 = vector.broadcast %shift_right_arithmetic3A_522 : i32 to vector<16xi32>
        %shift_right_arithmetic3A_524 = arith.shrsi %get3A_510, %shift_right_arithmetic3A_523 : vector<16xi32>
        %swap3A_525 = arith.constant 1 : i32
        %swap3A_526 = arith.constant 0 : i32
        %swap3A_527 = tpu.memref_slice %arg8[%swap3A_525, %swap3A_526] : memref<2x112xi32, #tpu.memory_space<vmem>> -> memref<1x112xi32, #tpu.memory_space<vmem>>
        %swap3A_528 = tpu.memref_squeeze %swap3A_527 : memref<1x112xi32, #tpu.memory_space<vmem>> -> memref<112xi32, #tpu.memory_space<vmem>>
        %swap3A_529 = arith.constant 32 : index
        %swap3A_530 = tpu.vector_load %swap3A_528[%swap3A_529] {strides = array<i32>} : memref<112xi32, #tpu.memory_space<vmem>>, vector<16xi32>,
        %swap3A_531 = vector.shape_cast %swap3A_530 : vector<16xi32> to vector<16xi32>
        %swap3A_532 = vector.shape_cast %shift_right_arithmetic3A_524 : vector<16xi32> to vector<16xi32>
        tpu.vector_store %swap3A_528[%swap3A_529], %swap3A_532 {strides = array<i32>} : memref<112xi32, #tpu.memory_space<vmem>>, vector<16xi32>,
        %get3A_533 = arith.constant 0 : i32
        %get3A_534 = tpu.memref_slice %arg7[%add3A_448, %get3A_533] : memref<149x112xi32, #tpu.memory_space<vmem>> -> memref<1x112xi32, #tpu.memory_space<vmem>>
        %get3A_535 = tpu.memref_squeeze %get3A_534 : memref<1x112xi32, #tpu.memory_space<vmem>> -> memref<112xi32, #tpu.memory_space<vmem>>
        %get3A_536 = arith.constant 48 : index
        %get3A_537 = tpu.vector_load %get3A_535[%get3A_536] {strides = array<i32>} : memref<112xi32, #tpu.memory_space<vmem>>, vector<16xi32>,
        %get3A_538 = vector.shape_cast %get3A_537 : vector<16xi32> to vector<16xi32>
        %and3A_539 = arith.constant 65535 : i32
        %and3A_540 = vector.broadcast %and3A_539 : i32 to vector<16xi32>
        %and3A_541 = arith.andi %get3A_538, %and3A_540 : vector<16xi32>
        %swap3A_542 = arith.constant 0 : i32
        %swap3A_543 = arith.constant 0 : i32
        %swap3A_544 = tpu.memref_slice %arg8[%swap3A_542, %swap3A_543] : memref<2x112xi32, #tpu.memory_space<vmem>> -> memref<1x112xi32, #tpu.memory_space<vmem>>
        %swap3A_545 = tpu.memref_squeeze %swap3A_544 : memref<1x112xi32, #tpu.memory_space<vmem>> -> memref<112xi32, #tpu.memory_space<vmem>>
        %swap3A_546 = arith.constant 48 : index
        %swap3A_547 = tpu.vector_load %swap3A_545[%swap3A_546] {strides = array<i32>} : memref<112xi32, #tpu.memory_space<vmem>>, vector<16xi32>,
        %swap3A_548 = vector.shape_cast %swap3A_547 : vector<16xi32> to vector<16xi32>
        %swap3A_549 = vector.shape_cast %and3A_541 : vector<16xi32> to vector<16xi32>
        tpu.vector_store %swap3A_545[%swap3A_546], %swap3A_549 {strides = array<i32>} : memref<112xi32, #tpu.memory_space<vmem>>, vector<16xi32>,
        %shift_right_arithmetic3A_550 = arith.constant 16 : i32
        %shift_right_arithmetic3A_551 = vector.broadcast %shift_right_arithmetic3A_550 : i32 to vector<16xi32>
        %shift_right_arithmetic3A_552 = arith.shrsi %get3A_538, %shift_right_arithmetic3A_551 : vector<16xi32>
        %swap3A_553 = arith.constant 1 : i32
        %swap3A_554 = arith.constant 0 : i32
        %swap3A_555 = tpu.memref_slice %arg8[%swap3A_553, %swap3A_554] : memref<2x112xi32, #tpu.memory_space<vmem>> -> memref<1x112xi32, #tpu.memory_space<vmem>>
        %swap3A_556 = tpu.memref_squeeze %swap3A_555 : memref<1x112xi32, #tpu.memory_space<vmem>> -> memref<112xi32, #tpu.memory_space<vmem>>
        %swap3A_557 = arith.constant 48 : index
        %swap3A_558 = tpu.vector_load %swap3A_556[%swap3A_557] {strides = array<i32>} : memref<112xi32, #tpu.memory_space<vmem>>, vector<16xi32>,
        %swap3A_559 = vector.shape_cast %swap3A_558 : vector<16xi32> to vector<16xi32>
        %swap3A_560 = vector.shape_cast %shift_right_arithmetic3A_552 : vector<16xi32> to vector<16xi32>
        tpu.vector_store %swap3A_556[%swap3A_557], %swap3A_560 {strides = array<i32>} : memref<112xi32, #tpu.memory_space<vmem>>, vector<16xi32>,
        %get3A_561 = arith.constant 0 : i32
        %get3A_562 = tpu.memref_slice %arg7[%add3A_448, %get3A_561] : memref<149x112xi32, #tpu.memory_space<vmem>> -> memref<1x112xi32, #tpu.memory_space<vmem>>
        %get3A_563 = tpu.memref_squeeze %get3A_562 : memref<1x112xi32, #tpu.memory_space<vmem>> -> memref<112xi32, #tpu.memory_space<vmem>>
        %get3A_564 = arith.constant 64 : index
        %get3A_565 = tpu.vector_load %get3A_563[%get3A_564] {strides = array<i32>} : memref<112xi32, #tpu.memory_space<vmem>>, vector<16xi32>,
        %get3A_566 = vector.shape_cast %get3A_565 : vector<16xi32> to vector<16xi32>
        %and3A_567 = arith.constant 65535 : i32
        %and3A_568 = vector.broadcast %and3A_567 : i32 to vector<16xi32>
        %and3A_569 = arith.andi %get3A_566, %and3A_568 : vector<16xi32>
        %swap3A_570 = arith.constant 0 : i32
        %swap3A_571 = arith.constant 0 : i32
        %swap3A_572 = tpu.memref_slice %arg8[%swap3A_570, %swap3A_571] : memref<2x112xi32, #tpu.memory_space<vmem>> -> memref<1x112xi32, #tpu.memory_space<vmem>>
        %swap3A_573 = tpu.memref_squeeze %swap3A_572 : memref<1x112xi32, #tpu.memory_space<vmem>> -> memref<112xi32, #tpu.memory_space<vmem>>
        %swap3A_574 = arith.constant 64 : index
        %swap3A_575 = tpu.vector_load %swap3A_573[%swap3A_574] {strides = array<i32>} : memref<112xi32, #tpu.memory_space<vmem>>, vector<16xi32>,
        %swap3A_576 = vector.shape_cast %swap3A_575 : vector<16xi32> to vector<16xi32>
        %swap3A_577 = vector.shape_cast %and3A_569 : vector<16xi32> to vector<16xi32>
        tpu.vector_store %swap3A_573[%swap3A_574], %swap3A_577 {strides = array<i32>} : memref<112xi32, #tpu.memory_space<vmem>>, vector<16xi32>,
        %shift_right_arithmetic3A_578 = arith.constant 16 : i32
        %shift_right_arithmetic3A_579 = vector.broadcast %shift_right_arithmetic3A_578 : i32 to vector<16xi32>
        %shift_right_arithmetic3A_580 = arith.shrsi %get3A_566, %shift_right_arithmetic3A_579 : vector<16xi32>
        %swap3A_581 = arith.constant 1 : i32
        %swap3A_582 = arith.constant 0 : i32
        %swap3A_583 = tpu.memref_slice %arg8[%swap3A_581, %swap3A_582] : memref<2x112xi32, #tpu.memory_space<vmem>> -> memref<1x112xi32, #tpu.memory_space<vmem>>
        %swap3A_584 = tpu.memref_squeeze %swap3A_583 : memref<1x112xi32, #tpu.memory_space<vmem>> -> memref<112xi32, #tpu.memory_space<vmem>>
        %swap3A_585 = arith.constant 64 : index
        %swap3A_586 = tpu.vector_load %swap3A_584[%swap3A_585] {strides = array<i32>} : memref<112xi32, #tpu.memory_space<vmem>>, vector<16xi32>,
        %swap3A_587 = vector.shape_cast %swap3A_586 : vector<16xi32> to vector<16xi32>
        %swap3A_588 = vector.shape_cast %shift_right_arithmetic3A_580 : vector<16xi32> to vector<16xi32>
        tpu.vector_store %swap3A_584[%swap3A_585], %swap3A_588 {strides = array<i32>} : memref<112xi32, #tpu.memory_space<vmem>>, vector<16xi32>,
        %get3A_589 = arith.constant 0 : i32
        %get3A_590 = tpu.memref_slice %arg7[%add3A_448, %get3A_589] : memref<149x112xi32, #tpu.memory_space<vmem>> -> memref<1x112xi32, #tpu.memory_space<vmem>>
        %get3A_591 = tpu.memref_squeeze %get3A_590 : memref<1x112xi32, #tpu.memory_space<vmem>> -> memref<112xi32, #tpu.memory_space<vmem>>
        %get3A_592 = arith.constant 80 : index
        %get3A_593 = tpu.vector_load %get3A_591[%get3A_592] {strides = array<i32>} : memref<112xi32, #tpu.memory_space<vmem>>, vector<16xi32>,
        %get3A_594 = vector.shape_cast %get3A_593 : vector<16xi32> to vector<16xi32>
        %and3A_595 = arith.constant 65535 : i32
        %and3A_596 = vector.broadcast %and3A_595 : i32 to vector<16xi32>
        %and3A_597 = arith.andi %get3A_594, %and3A_596 : vector<16xi32>
        %swap3A_598 = arith.constant 0 : i32
        %swap3A_599 = arith.constant 0 : i32
        %swap3A_600 = tpu.memref_slice %arg8[%swap3A_598, %swap3A_599] : memref<2x112xi32, #tpu.memory_space<vmem>> -> memref<1x112xi32, #tpu.memory_space<vmem>>
        %swap3A_601 = tpu.memref_squeeze %swap3A_600 : memref<1x112xi32, #tpu.memory_space<vmem>> -> memref<112xi32, #tpu.memory_space<vmem>>
        %swap3A_602 = arith.constant 80 : index
        %swap3A_603 = tpu.vector_load %swap3A_601[%swap3A_602] {strides = array<i32>} : memref<112xi32, #tpu.memory_space<vmem>>, vector<16xi32>,
        %swap3A_604 = vector.shape_cast %swap3A_603 : vector<16xi32> to vector<16xi32>
        %swap3A_605 = vector.shape_cast %and3A_597 : vector<16xi32> to vector<16xi32>
        tpu.vector_store %swap3A_601[%swap3A_602], %swap3A_605 {strides = array<i32>} : memref<112xi32, #tpu.memory_space<vmem>>, vector<16xi32>,
        %shift_right_arithmetic3A_606 = arith.constant 16 : i32
        %shift_right_arithmetic3A_607 = vector.broadcast %shift_right_arithmetic3A_606 : i32 to vector<16xi32>
        %shift_right_arithmetic3A_608 = arith.shrsi %get3A_594, %shift_right_arithmetic3A_607 : vector<16xi32>
        %swap3A_609 = arith.constant 1 : i32
        %swap3A_610 = arith.constant 0 : i32
        %swap3A_611 = tpu.memref_slice %arg8[%swap3A_609, %swap3A_610] : memref<2x112xi32, #tpu.memory_space<vmem>> -> memref<1x112xi32, #tpu.memory_space<vmem>>
        %swap3A_612 = tpu.memref_squeeze %swap3A_611 : memref<1x112xi32, #tpu.memory_space<vmem>> -> memref<112xi32, #tpu.memory_space<vmem>>
        %swap3A_613 = arith.constant 80 : index
        %swap3A_614 = tpu.vector_load %swap3A_612[%swap3A_613] {strides = array<i32>} : memref<112xi32, #tpu.memory_space<vmem>>, vector<16xi32>,
        %swap3A_615 = vector.shape_cast %swap3A_614 : vector<16xi32> to vector<16xi32>
        %swap3A_616 = vector.shape_cast %shift_right_arithmetic3A_608 : vector<16xi32> to vector<16xi32>
        tpu.vector_store %swap3A_612[%swap3A_613], %swap3A_616 {strides = array<i32>} : memref<112xi32, #tpu.memory_space<vmem>>, vector<16xi32>,
        %get3A_617 = arith.constant 0 : i32
        %get3A_618 = tpu.memref_slice %arg7[%add3A_448, %get3A_617] : memref<149x112xi32, #tpu.memory_space<vmem>> -> memref<1x112xi32, #tpu.memory_space<vmem>>
        %get3A_619 = tpu.memref_squeeze %get3A_618 : memref<1x112xi32, #tpu.memory_space<vmem>> -> memref<112xi32, #tpu.memory_space<vmem>>
        %get3A_620 = arith.constant 96 : index
        %get3A_621 = tpu.vector_load %get3A_619[%get3A_620] {strides = array<i32>} : memref<112xi32, #tpu.memory_space<vmem>>, vector<16xi32>,
        %get3A_622 = vector.shape_cast %get3A_621 : vector<16xi32> to vector<16xi32>
        %and3A_623 = arith.constant 65535 : i32
        %and3A_624 = vector.broadcast %and3A_623 : i32 to vector<16xi32>
        %and3A_625 = arith.andi %get3A_622, %and3A_624 : vector<16xi32>
        %swap3A_626 = arith.constant 0 : i32
        %swap3A_627 = arith.constant 0 : i32
        %swap3A_628 = tpu.memref_slice %arg8[%swap3A_626, %swap3A_627] : memref<2x112xi32, #tpu.memory_space<vmem>> -> memref<1x112xi32, #tpu.memory_space<vmem>>
        %swap3A_629 = tpu.memref_squeeze %swap3A_628 : memref<1x112xi32, #tpu.memory_space<vmem>> -> memref<112xi32, #tpu.memory_space<vmem>>
        %swap3A_630 = arith.constant 96 : index
        %swap3A_631 = tpu.vector_load %swap3A_629[%swap3A_630] {strides = array<i32>} : memref<112xi32, #tpu.memory_space<vmem>>, vector<16xi32>,
        %swap3A_632 = vector.shape_cast %swap3A_631 : vector<16xi32> to vector<16xi32>
        %swap3A_633 = vector.shape_cast %and3A_625 : vector<16xi32> to vector<16xi32>
        tpu.vector_store %swap3A_629[%swap3A_630], %swap3A_633 {strides = array<i32>} : memref<112xi32, #tpu.memory_space<vmem>>, vector<16xi32>,
        %shift_right_arithmetic3A_634 = arith.constant 16 : i32
        %shift_right_arithmetic3A_635 = vector.broadcast %shift_right_arithmetic3A_634 : i32 to vector<16xi32>
        %shift_right_arithmetic3A_636 = arith.shrsi %get3A_622, %shift_right_arithmetic3A_635 : vector<16xi32>
        %swap3A_637 = arith.constant 1 : i32
        %swap3A_638 = arith.constant 0 : i32
        %swap3A_639 = tpu.memref_slice %arg8[%swap3A_637, %swap3A_638] : memref<2x112xi32, #tpu.memory_space<vmem>> -> memref<1x112xi32, #tpu.memory_space<vmem>>
        %swap3A_640 = tpu.memref_squeeze %swap3A_639 : memref<1x112xi32, #tpu.memory_space<vmem>> -> memref<112xi32, #tpu.memory_space<vmem>>
        %swap3A_641 = arith.constant 96 : index
        %swap3A_642 = tpu.vector_load %swap3A_640[%swap3A_641] {strides = array<i32>} : memref<112xi32, #tpu.memory_space<vmem>>, vector<16xi32>,
        %swap3A_643 = vector.shape_cast %swap3A_642 : vector<16xi32> to vector<16xi32>
        %swap3A_644 = vector.shape_cast %shift_right_arithmetic3A_636 : vector<16xi32> to vector<16xi32>
        tpu.vector_store %swap3A_640[%swap3A_641], %swap3A_644 {strides = array<i32>} : memref<112xi32, #tpu.memory_space<vmem>>, vector<16xi32>,
        %dma_start3A_645 = arith.constant 0 : i32
        %dma_start3A_646 = arith.constant 0 : i32
        %dma_start3A_647 = tpu.memref_slice %arg8[%dma_start3A_645, %dma_start3A_646] : memref<2x112xi32, #tpu.memory_space<vmem>> -> memref<1x112xi32, #tpu.memory_space<vmem>>
        %dma_start3A_648 = tpu.memref_squeeze %dma_start3A_647 : memref<1x112xi32, #tpu.memory_space<vmem>> -> memref<112xi32, #tpu.memory_space<vmem>>
        %dma_start3A_649 = arith.constant 0 : i32
        %dma_start3A_650 = arith.constant 0 : i32
        %dma_start3A_651 = tpu.memref_slice %arg2[%dma_start3A_649, %dma_start3A_650] : memref<10000x128xf32, #tpu.memory_space<hbm>> -> memref<10000x128xf32, #tpu.memory_space<hbm>>
        tpu.enqueue_indirect_dma source(%dma_start3A_651 : memref<10000x128xf32, #tpu.memory_space<hbm>>) target(%arg10 : memref<112x128xf32, #tpu.memory_space<vmem>>) offsets(%dma_start3A_648 : memref<112xi32, #tpu.memory_space<vmem>>) semaphore(%arg13 : memref<!tpu.dma_semaphore, #tpu.memory_space<semaphore_mem>>)
        %dma_wait3A_652 = arith.constant 0 : i32
        %dma_wait3A_653 = arith.constant 0 : i32
        %dma_wait3A_654 = tpu.memref_slice %arg9[%dma_wait3A_652, %dma_wait3A_653] : memref<2x112xi32, #tpu.memory_space<vmem>> -> memref<1x112xi32, #tpu.memory_space<vmem>>
        %dma_wait3A_655 = tpu.memref_squeeze %dma_wait3A_654 : memref<1x112xi32, #tpu.memory_space<vmem>> -> memref<112xi32, #tpu.memory_space<vmem>>
        %dma_wait3A_656 = arith.constant 0 : i32
        %dma_wait3A_657 = arith.constant 0 : i32
        %dma_wait3A_658 = tpu.memref_slice %arg2[%dma_wait3A_656, %dma_wait3A_657] : memref<10000x128xf32, #tpu.memory_space<hbm>> -> memref<10000x128xf32, #tpu.memory_space<hbm>>
        tpu.wait_indirect_dma semaphore(%arg14 : memref<!tpu.dma_semaphore, #tpu.memory_space<semaphore_mem>>) src(%dma_wait3A_658 : memref<10000x128xf32, #tpu.memory_space<hbm>>) dst(%arg11 : memref<112x128xf32, #tpu.memory_space<vmem>>)
        %run_scoped3A_659 = arith.constant 1 : i32
        "tpu.region"() ({
          %run_scoped3A_660 = tpu.sem_alloc : memref<!tpu.dma_semaphore, #tpu.memory_space<semaphore_mem>>
          %dma_start3A_661 = arith.constant 0 : i32
          %dma_start3A_662 = tpu.memref_slice %arg9[%run_scoped3A_659, %dma_start3A_661] : memref<2x112xi32, #tpu.memory_space<vmem>> -> memref<1x112xi32, #tpu.memory_space<vmem>>
          %dma_start3A_663 = tpu.memref_squeeze %dma_start3A_662 : memref<1x112xi32, #tpu.memory_space<vmem>> -> memref<112xi32, #tpu.memory_space<vmem>>
          %dma_start3A_664 = arith.constant 0 : i32
          %dma_start3A_665 = arith.constant 0 : i32
          %dma_start3A_666 = tpu.memref_slice %arg12[%dma_start3A_664, %dma_start3A_665] : memref<10112x128xf32, #tpu.memory_space<vmem_shared>> -> memref<10112x128xf32, #tpu.memory_space<vmem_shared>>
          tpu.enqueue_indirect_dma source(%arg11 : memref<112x128xf32, #tpu.memory_space<vmem>>) target(%dma_start3A_666 : memref<10112x128xf32, #tpu.memory_space<vmem_shared>>) offsets(%dma_start3A_663 : memref<112xi32, #tpu.memory_space<vmem>>) semaphore(%run_scoped3A_660 : memref<!tpu.dma_semaphore, #tpu.memory_space<semaphore_mem>>) {add = true}
          %dma_wait3A_667 = arith.constant 0 : i32
          %dma_wait3A_668 = tpu.memref_slice %arg9[%run_scoped3A_659, %dma_wait3A_667] : memref<2x112xi32, #tpu.memory_space<vmem>> -> memref<1x112xi32, #tpu.memory_space<vmem>>
          %dma_wait3A_669 = tpu.memref_squeeze %dma_wait3A_668 : memref<1x112xi32, #tpu.memory_space<vmem>> -> memref<112xi32, #tpu.memory_space<vmem>>
          %dma_wait3A_670 = arith.constant 0 : i32
          %dma_wait3A_671 = arith.constant 0 : i32
          %dma_wait3A_672 = tpu.memref_slice %arg12[%dma_wait3A_670, %dma_wait3A_671] : memref<10112x128xf32, #tpu.memory_space<vmem_shared>> -> memref<10112x128xf32, #tpu.memory_space<vmem_shared>>
          tpu.wait_indirect_dma semaphore(%run_scoped3A_660 : memref<!tpu.dma_semaphore, #tpu.memory_space<semaphore_mem>>) src(%arg11 : memref<112x128xf32, #tpu.memory_space<vmem>>) dst(%dma_wait3A_672 : memref<10112x128xf32, #tpu.memory_space<vmem_shared>>)
          tpu.yield
        }) : () -> ()
      }
      %scan3A_223 = arith.constant 15 : i32
      %dma_wait3A = arith.constant 0 : i32
      %dma_wait3A_224 = arith.constant 0 : i32
      %dma_wait3A_225 = tpu.memref_slice %arg8[%dma_wait3A, %dma_wait3A_224] : memref<2x112xi32, #tpu.memory_space<vmem>> -> memref<1x112xi32, #tpu.memory_space<vmem>>
      %dma_wait3A_226 = tpu.memref_squeeze %dma_wait3A_225 : memref<1x112xi32, #tpu.memory_space<vmem>> -> memref<112xi32, #tpu.memory_space<vmem>>
      %dma_wait3A_227 = arith.constant 0 : i32
      %dma_wait3A_228 = arith.constant 0 : i32
      %dma_wait3A_229 = tpu.memref_slice %arg2[%dma_wait3A_227, %dma_wait3A_228] : memref<10000x128xf32, #tpu.memory_space<hbm>> -> memref<10000x128xf32, #tpu.memory_space<hbm>>
      tpu.wait_indirect_dma semaphore(%arg13 : memref<!tpu.dma_semaphore, #tpu.memory_space<semaphore_mem>>) src(%dma_wait3A_229 : memref<10000x128xf32, #tpu.memory_space<hbm>>) dst(%arg10 : memref<112x128xf32, #tpu.memory_space<vmem>>)
      %run_scoped3A = arith.constant 1 : i32
      "tpu.region"() ({
        %run_scoped3A_230 = tpu.sem_alloc : memref<!tpu.dma_semaphore, #tpu.memory_space<semaphore_mem>>
        %dma_start3A_231 = arith.constant 0 : i32
        %dma_start3A_232 = tpu.memref_slice %arg8[%run_scoped3A, %dma_start3A_231] : memref<2x112xi32, #tpu.memory_space<vmem>> -> memref<1x112xi32, #tpu.memory_space<vmem>>
        %dma_start3A_233 = tpu.memref_squeeze %dma_start3A_232 : memref<1x112xi32, #tpu.memory_space<vmem>> -> memref<112xi32, #tpu.memory_space<vmem>>
        %dma_start3A_234 = arith.constant 0 : i32
        %dma_start3A_235 = arith.constant 0 : i32
        %dma_start3A_236 = tpu.memref_slice %arg12[%dma_start3A_234, %dma_start3A_235] : memref<10112x128xf32, #tpu.memory_space<vmem_shared>> -> memref<10112x128xf32, #tpu.memory_space<vmem_shared>>
        tpu.enqueue_indirect_dma source(%arg10 : memref<112x128xf32, #tpu.memory_space<vmem>>) target(%dma_start3A_236 : memref<10112x128xf32, #tpu.memory_space<vmem_shared>>) offsets(%dma_start3A_233 : memref<112xi32, #tpu.memory_space<vmem>>) semaphore(%run_scoped3A_230 : memref<!tpu.dma_semaphore, #tpu.memory_space<semaphore_mem>>) {add = true}
        %dma_wait3A_237 = arith.constant 0 : i32
        %dma_wait3A_238 = tpu.memref_slice %arg8[%run_scoped3A, %dma_wait3A_237] : memref<2x112xi32, #tpu.memory_space<vmem>> -> memref<1x112xi32, #tpu.memory_space<vmem>>
        %dma_wait3A_239 = tpu.memref_squeeze %dma_wait3A_238 : memref<1x112xi32, #tpu.memory_space<vmem>> -> memref<112xi32, #tpu.memory_space<vmem>>
        %dma_wait3A_240 = arith.constant 0 : i32
        %dma_wait3A_241 = arith.constant 0 : i32
        %dma_wait3A_242 = tpu.memref_slice %arg12[%dma_wait3A_240, %dma_wait3A_241] : memref<10112x128xf32, #tpu.memory_space<vmem_shared>> -> memref<10112x128xf32, #tpu.memory_space<vmem_shared>>
        tpu.wait_indirect_dma semaphore(%run_scoped3A_230 : memref<!tpu.dma_semaphore, #tpu.memory_space<semaphore_mem>>) src(%arg10 : memref<112x128xf32, #tpu.memory_space<vmem>>) dst(%dma_wait3A_242 : memref<10112x128xf32, #tpu.memory_space<vmem_shared>>)
        tpu.yield
      }) : () -> ()
    } else {
    }
    %barrier3A_10 = arith.constant 0 : index
    tpu.barrier barrier_id(%barrier3A_10)
    %mul3A_11 = arith.constant 632 : i32
    %mul3A_12 = arith.muli %arg1, %mul3A_11 : i32
    %mul3A_13 = arith.constant 632 : i32
    %mul3A_14 = arith.muli %arg1, %mul3A_13 : i32
    "tpu.region"() ({
      %run_scoped3A = tpu.sem_alloc : memref<!tpu.dma_semaphore, #tpu.memory_space<semaphore_mem>>
      %dma_start3A = arith.constant 0 : i32
      %dma_start3A_15 = tpu.memref_slice %arg6[%arg0, %mul3A_14, %dma_start3A] : memref<2x10112x128xf32, #tpu.memory_space<hbm>> -> memref<1x632x128xf32, #tpu.memory_space<hbm>>
      %dma_start3A_16 = tpu.memref_squeeze %dma_start3A_15 : memref<1x632x128xf32, #tpu.memory_space<hbm>> -> memref<632x128xf32, #tpu.memory_space<hbm>>
      %dma_start3A_17 = arith.constant 0 : i32
      %dma_start3A_18 = tpu.memref_slice %arg12[%mul3A_12, %dma_start3A_17] : memref<10112x128xf32, #tpu.memory_space<vmem_shared>> -> memref<632x128xf32, #tpu.memory_space<vmem_shared>>
      tpu.enqueue_dma source(%dma_start3A_18 : memref<632x128xf32, #tpu.memory_space<vmem_shared>>) target(%dma_start3A_16 : memref<632x128xf32, #tpu.memory_space<hbm>>) target_semaphore(%run_scoped3A : memref<!tpu.dma_semaphore, #tpu.memory_space<semaphore_mem>>)
      %dma_wait3A = arith.constant 0 : i32
      %dma_wait3A_19 = tpu.memref_slice %arg6[%arg0, %mul3A_14, %dma_wait3A] : memref<2x10112x128xf32, #tpu.memory_space<hbm>> -> memref<1x632x128xf32, #tpu.memory_space<hbm>>
      %dma_wait3A_20 = tpu.memref_squeeze %dma_wait3A_19 : memref<1x632x128xf32, #tpu.memory_space<hbm>> -> memref<632x128xf32, #tpu.memory_space<hbm>>
      %dma_wait3A_21 = arith.constant 0 : i32
      %dma_wait3A_22 = tpu.memref_slice %arg12[%mul3A_12, %dma_wait3A_21] : memref<10112x128xf32, #tpu.memory_space<vmem_shared>> -> memref<632x128xf32, #tpu.memory_space<vmem_shared>>
      tpu.wait_dma2 semaphore(%run_scoped3A : memref<!tpu.dma_semaphore, #tpu.memory_space<semaphore_mem>>) src(%dma_wait3A_22 : memref<632x128xf32, #tpu.memory_space<vmem_shared>>) dst(%dma_wait3A_20 : memref<632x128xf32, #tpu.memory_space<hbm>>)
      tpu.yield
    }) : () -> ()
    return
  }
}

module attributes {stable_mosaic.version = 14 : i64} {
  func.func @body(%arg0: i32, %arg1: memref<1000x128xf32, #tpu.memory_space<vmem>>, %arg2: memref<128x128xf32, #tpu.memory_space<vmem>>, %arg3: memref<1x128xf32, #tpu.memory_space<vmem>>, %arg4: memref<1000x128xf32, #tpu.memory_space<vmem>>) attributes {dimension_semantics = [#tpu.dimension_semantics<arbitrary>], iteration_bounds = array<i64: 10>, scalar_prefetch = 0 : i64, scratch_operands = 0 : i64, tpu.core_type = #tpu.core_type<tc>, window_params = [{transform_indices = @transform_0, window_bounds = array<i64: 1000, 128>}, {pipeline_mode = #tpu.pipeline_mode<synchronous>, transform_indices = @transform_1, window_bounds = array<i64: 128, 128>}, {pipeline_mode = #tpu.pipeline_mode<synchronous>, transform_indices = @transform_2, window_bounds = array<i64: 1, 128>}, {transform_indices = @transform_3, window_bounds = array<i64: 1000, 128>}]} {
    %get3A = arith.constant 0 : index
    %get3A_0 = arith.constant 0 : index
    %get3A_1 = vector.load %arg1[%get3A, %get3A_0] : memref<1000x128xf32, #tpu.memory_space<vmem>>, vector<1000x128xf32>
    %get3A_2 = arith.constant 0 : index
    %get3A_3 = arith.constant 0 : index
    %get3A_4 = vector.load %arg2[%get3A_2, %get3A_3] : memref<128x128xf32, #tpu.memory_space<vmem>>, vector<128x128xf32>
    %dot_general3A = arith.constant dense<0.000000e+00> : vector<1000x128xf32>
    %dot_general3A_5 = tpu.matmul %get3A_1, %get3A_4, %dot_general3A {dimension_numbers = #tpu.dot_dimension_numbers<[1], [1], [0], [0], [0, 0, 1, 0], [], []>, precision = #tpu.contract_precision<fp32>, transpose_lhs_hint = false} : vector<1000x128xf32>, vector<128x128xf32>, vector<1000x128xf32> -> vector<1000x128xf32>
    %get3A_6 = arith.constant 0 : index
    %get3A_7 = arith.constant 0 : index
    %get3A_8 = vector.load %arg3[%get3A_6, %get3A_7] : memref<1x128xf32, #tpu.memory_space<vmem>>, vector<1x128xf32>
    %add3A = vector.broadcast %get3A_8 : vector<1x128xf32> to vector<1000x128xf32>
    %add3A_9 = arith.addf %dot_general3A_5, %add3A : vector<1000x128xf32>
    %swap3A = arith.constant 0 : index
    %swap3A_10 = arith.constant 0 : index
    %swap3A_11 = vector.load %arg4[%swap3A, %swap3A_10] : memref<1000x128xf32, #tpu.memory_space<vmem>>, vector<1000x128xf32>
    tpu.vector_store %arg4[%swap3A, %swap3A_10], %add3A_9 {strides = array<i32>} : memref<1000x128xf32, #tpu.memory_space<vmem>>, vector<1000x128xf32>,
    return
  }
  func.func @transform_0(%arg0: i32) -> (i32, i32) {
    %c0_i32 = arith.constant 0 : i32
    %c0_i32_0 = arith.constant 0 : i32
    return %arg0, %c0_i32 : i32, i32
  }
  func.func @transform_1(%arg0: i32) -> (i32, i32) {
    %c0_i32 = arith.constant 0 : i32
    %c0_i32_0 = arith.constant 0 : i32
    %c0_i32_1 = arith.constant 0 : i32
    return %c0_i32, %c0_i32_0 : i32, i32
  }
  func.func @transform_2(%arg0: i32) -> (i32, i32) {
    %c0_i32 = arith.constant 0 : i32
    %c0_i32_0 = arith.constant 0 : i32
    %c0_i32_1 = arith.constant 0 : i32
    return %c0_i32, %c0_i32_0 : i32, i32
  }
  func.func @transform_3(%arg0: i32) -> (i32, i32) {
    %c0_i32 = arith.constant 0 : i32
    %c0_i32_0 = arith.constant 0 : i32
    return %arg0, %c0_i32 : i32, i32
  }
}

module attributes {stable_mosaic.version = 14 : i64} {
  func.func @body(%arg0: i32, %arg1: memref<1000x128xf32, #tpu.memory_space<vmem>>, %arg2: memref<1x1000x128xf32, #tpu.memory_space<vmem>>, %arg3: memref<1x1000x128xf32, #tpu.memory_space<vmem>>, %arg4: memref<1000x1xf32, #tpu.memory_space<vmem>>, %arg5: memref<128x128xf32, #tpu.memory_space<vmem>>, %arg6: memref<1000x128xf32, #tpu.memory_space<vmem>>) attributes {dimension_semantics = [#tpu.dimension_semantics<arbitrary>], iteration_bounds = array<i64: 10>, scalar_prefetch = 0 : i64, scratch_operands = 0 : i64, tpu.core_type = #tpu.core_type<tc>, window_params = [{transform_indices = @transform_0, window_bounds = array<i64: 1000, 128>}, {transform_indices = @transform_1, window_bounds = array<i64: 1, 1000, 128>}, {transform_indices = @transform_2, window_bounds = array<i64: 1, 1000, 128>}, {transform_indices = @transform_3, window_bounds = array<i64: 1000, 1>}, {pipeline_mode = #tpu.pipeline_mode<synchronous>, transform_indices = @transform_4, window_bounds = array<i64: 128, 128>}, {transform_indices = @transform_5, window_bounds = array<i64: 1000, 128>}]} {
    %get3A = arith.constant 0 : index
    %get3A_0 = arith.constant 0 : index
    %get3A_1 = arith.constant 0 : index
    %get3A_2 = vector.load %arg2[%get3A, %get3A_0, %get3A_1] : memref<1x1000x128xf32, #tpu.memory_space<vmem>>, vector<1x1000x128xf32>
    %get3A_3 = vector.shape_cast %get3A_2 : vector<1x1000x128xf32> to vector<1000x128xf32>
    %get3A_4 = arith.constant 0 : index
    %get3A_5 = arith.constant 0 : index
    %get3A_6 = arith.constant 0 : index
    %get3A_7 = vector.load %arg3[%get3A_4, %get3A_5, %get3A_6] : memref<1x1000x128xf32, #tpu.memory_space<vmem>>, vector<1x1000x128xf32>
    %get3A_8 = vector.shape_cast %get3A_7 : vector<1x1000x128xf32> to vector<1000x128xf32>
    %add3A = arith.addf %get3A_3, %get3A_8 : vector<1000x128xf32>
    %get3A_9 = arith.constant 0 : index
    %get3A_10 = arith.constant 0 : index
    %get3A_11 = vector.load %arg4[%get3A_9, %get3A_10] : memref<1000x1xf32, #tpu.memory_space<vmem>>, vector<1000x1xf32>
    %div3A = vector.broadcast %get3A_11 : vector<1000x1xf32> to vector<1000x128xf32>
    %div3A_12 = arith.divf %add3A, %div3A : vector<1000x128xf32>
    %get3A_13 = arith.constant 0 : index
    %get3A_14 = arith.constant 0 : index
    %get3A_15 = vector.load %arg1[%get3A_13, %get3A_14] : memref<1000x128xf32, #tpu.memory_space<vmem>>, vector<1000x128xf32>
    %get3A_16 = arith.constant 0 : index
    %get3A_17 = arith.constant 0 : index
    %get3A_18 = vector.load %arg5[%get3A_16, %get3A_17] : memref<128x128xf32, #tpu.memory_space<vmem>>, vector<128x128xf32>
    %dot_general3A = arith.constant dense<0.000000e+00> : vector<1000x128xf32>
    %dot_general3A_19 = tpu.matmul %div3A_12, %get3A_18, %dot_general3A {dimension_numbers = #tpu.dot_dimension_numbers<[1], [1], [0], [0], [0, 0, 1, 0], [], []>, precision = #tpu.contract_precision<fp32>, transpose_lhs_hint = false} : vector<1000x128xf32>, vector<128x128xf32>, vector<1000x128xf32> -> vector<1000x128xf32>
    %add3A_20 = arith.addf %get3A_15, %dot_general3A_19 : vector<1000x128xf32>
    %max3A = arith.constant 0.000000e+00 : f32
    %max3A_21 = vector.broadcast %max3A : f32 to vector<1000x128xf32>
    %max3A_22 = arith.maximumf %add3A_20, %max3A_21 : vector<1000x128xf32>
    %swap3A = arith.constant 0 : index
    %swap3A_23 = arith.constant 0 : index
    %swap3A_24 = vector.load %arg6[%swap3A, %swap3A_23] : memref<1000x128xf32, #tpu.memory_space<vmem>>, vector<1000x128xf32>
    tpu.vector_store %arg6[%swap3A, %swap3A_23], %max3A_22 {strides = array<i32>} : memref<1000x128xf32, #tpu.memory_space<vmem>>, vector<1000x128xf32>,
    return
  }
  func.func @transform_0(%arg0: i32) -> (i32, i32) {
    %c0_i32 = arith.constant 0 : i32
    %c0_i32_0 = arith.constant 0 : i32
    return %arg0, %c0_i32 : i32, i32
  }
  func.func @transform_1(%arg0: i32) -> (i32, i32, i32) {
    %c0_i32 = arith.constant 0 : i32
    %c0_i32_0 = arith.constant 0 : i32
    %c0_i32_1 = arith.constant 0 : i32
    return %c0_i32, %arg0, %c0_i32_0 : i32, i32, i32
  }
  func.func @transform_2(%arg0: i32) -> (i32, i32, i32) {
    %c1_i32 = arith.constant 1 : i32
    %c0_i32 = arith.constant 0 : i32
    %c0_i32_0 = arith.constant 0 : i32
    return %c1_i32, %arg0, %c0_i32 : i32, i32, i32
  }
  func.func @transform_3(%arg0: i32) -> (i32, i32) {
    %c0_i32 = arith.constant 0 : i32
    %c0_i32_0 = arith.constant 0 : i32
    return %arg0, %c0_i32 : i32, i32
  }
  func.func @transform_4(%arg0: i32) -> (i32, i32) {
    %c0_i32 = arith.constant 0 : i32
    %c0_i32_0 = arith.constant 0 : i32
    %c0_i32_1 = arith.constant 0 : i32
    return %c0_i32, %c0_i32_0 : i32, i32
  }
  func.func @transform_5(%arg0: i32) -> (i32, i32) {
    %c0_i32 = arith.constant 0 : i32
    %c0_i32_0 = arith.constant 0 : i32
    return %arg0, %c0_i32 : i32, i32
  }
}

</mosaic_0001>

<sc_bundles>
// kernel: kernel.5.cloned.1.call-start
scs
__scs_entry_jumppad:
0x0: {  	(pc) =	sbr.rel $0x88, $3  }
0x1: {  	(tag) =	ssettag $0x0;
	lr =	simm.s32 $0x1  }
0x2: {  	[smem:$0x3F9B] =	sst lr;
	_ =	strace $0xD0000000  }
0x3: {  	_ = 	snop  }
0x4: {  	_ = 	snop  }
0x5: {  	_ = 	snop  }
0x6: {  	_ = 	snop  }
0x7: {  	_ = 	snop  }
__scs_overlays_trampoline_lowered:
0x8: {  	[smem:$0x3FAA] =	sst s0  }
0x9: {  	[smem:$0x3FAB] =	sst s1  }
0xa: {  	[smem:$0x3FAC] =	sst s2  }
0xb: {  	[smem:$0x3FAD] =	sst s3  }
0xc: {  	[smem:$0x3FAE] =	sst s4  }
0xd: {  	[smem:$0x3FAF] =	sst s5  }
0xe: {  	[smem:$0x3FB0] =	sst s6  }
0xf: {  	[smem:$0x3FB1] =	sst s7  }
0x10: {  	[smem:$0x3FB2] =	sst s8  }
0x11: {  	[smem:$0x3FB3] =	sst s9;
	s0 =	simm.s32 @!p0 $0x0  }
0x12: {  	s1 =	sld [smem:$0x3F99];
	s0 =	simm.s32 @p0 $0x1  }
0x13: {  	[smem:$0x3FB4] =	sst s0;
	s0 =	simm.s32 @!p1 $0x0  }
0x14: {  	s2 =	sld [smem:$0x3F98];
	s0 =	simm.s32 @p1 $0x1  }
0x15: {  	[smem:$0x3FB5] =	sst s0;
	s0 =	simm.s32 @!p2 $0x0  }
0x16: {  	s3 =	sld [smem:$0x3FDB];
	s0 =	simm.s32 @p2 $0x1  }
0x17: {  	s4 =	simm.s32 $0x1BF5;
	[smem:$0x3FB7] =	sst s0  }
0x18: {  	s0 =	sld [smem:$0x3F9A];
	_ =	swait.ge [sflag:s4], $0x0  }
0x19: {  	s7 =	sld [smem:$0x3F9B]  }
0x1a: {  	s8 =	sadd.s32 $0xFFFFE003, lr  }
0x1b: {  	s9 =	sadd.s32 $0xFFFFFEF7, lr;
	s5 =	simm.s32 $0xFFFFFFFF;
	p2 =	slt.u32 s8, $0xFFFFF086  }
0x1c: {  	p1 =	slt.u32 s9, $0xF7A;
	s5 =	simm.s32 @!p2 $0x0  }
0x1d: {  	s5 =	simm.s32 @p1 $0x1;
	p0 =	seq.s32 s7, s2  }
0x1e: {  	s7 =	smul.u32 @!p0 $0xF7A, s2;
	p2 =	seq.s32 @!p0 s5, $0x0  }
0x1f: {  	s9 =	smul.u32 $0xF7A, s1;
	s8 =	simm.s32 @!p0 $0x1BF5;
	p2 =	por !p2, p0  }
0x20: {  	[sflag:s8] =	ssyncset.s32 @!p0 $0xFFFFF086;
	s6 =	sadd.s32 @!p0 s3, s7;
	s7 =	simm.s32 @!p0 $0x108  }
0x21: {  	s3 =	sadd.s32 s3, s9;
	s6 =	sadd.s32 @!p0 $0x88, s6;
	s7 =	simm.s32 @p2 $0x1082  }
0x22: {  	[simem:s7], [sflag:s8] =	dma.local @!p0 [hbm:s6], $0xF7A  }
0x23: {  	s9 =	sor.u32 $0xD0000000, s2;
	s6 =	simm.s32 $0x108;
	_ =	swait.ge @!p0 [sflag:s8], $0x0  }
0x24: {  	s3 =	sadd.s32 $0x88, s3;
	s6 =	simm.s32 @!p1 $0x1082;
	[sflag:s4] =	ssyncset.s32 $0xFFFFF086  }
0x25: {  	[simem:s6], [sflag:s4] =	dma.local [hbm:s3], $0xF7A  }
0x26: {  	[smem:$0x3F9B] =	sst s1;
	(tag) =	ssettag s2;
	_ =	strace s9  }
0x27: {  	s1 =	sld [smem:$0x3FAB]  }
0x28: {  	s2 =	sld [smem:$0x3FAC]  }
0x29: {  	s4 =	sld [smem:$0x3FAE]  }
0x2a: {  	p0 =	seq.s32 s5, $0x0;
	s5 =	sld [smem:$0x3FAF]  }
0x2b: {  	s6 =	sld [smem:$0x3FB0]  }
0x2c: {  	s7 =	sld [smem:$0x3FB1]  }
0x2d: {  	s3 =	simm.s32 $0x108;
	s8 =	sld [smem:$0x3FB2]  }
0x2e: {  	s3 =	simm.s32 @!p0 $0x1082;
	s9 =	sld [smem:$0x3FB3]  }
0x2f: {  	lr =	sadd.s32 s0, s3;
	s0 =	sld [smem:$0x3FAA]  }
0x30: {  	s3 =	sld [smem:$0x3FAD]  }
0x31: {  	[smem:$0x3FB6] =	sst s10  }
0x32: {  	s10 =	sld [smem:$0x3FB4];
	_ =	sdelay $0x3  }
0x33: {  	p0 =	seq.s32 s10, $0x1;
	s10 =	sld [smem:$0x3FB6];
	_ =	sdelay $0x3  }
0x34: {  	[smem:$0x3FB6] =	sst s10  }
0x35: {  	s10 =	sld [smem:$0x3FB5];
	_ =	sdelay $0x3  }
0x36: {  	p1 =	seq.s32 s10, $0x1;
	s10 =	sld [smem:$0x3FB6];
	_ =	sdelay $0x3  }
0x37: {  	[smem:$0x3FB6] =	sst s10  }
0x38: {  	s10 =	sld [smem:$0x3FB7]  }
0x39: {  	_ = 	snop;
	(pc) =	sbr.ind lr, $3  }
0x3a: {  	_ = 	snop  }
0x3b: {  	_ = 	snop  }
0x3c: {  	p2 =	seq.s32 s10, $0x1;
	s10 =	sld [smem:$0x3FB6]  }
0x3d: {  	_ =	shalt  }
0x3e: {  	_ =	shalt  }
0x3f: {  	_ =	shalt  }
0x40: {  	_ =	shalt  }
0x41: {  	_ =	shalt  }
0x42: {  	_ =	shalt  }
0x43: {  	_ =	shalt  }
0x44: {  	_ =	shalt  }
0x45: {  	_ =	shalt  }
0x46: {  	_ =	shalt  }
0x47: {  	_ =	shalt  }
0x48: {  	_ =	shalt  }
0x49: {  	_ =	shalt  }
0x4a: {  	_ =	shalt  }
0x4b: {  	_ =	shalt  }
0x4c: {  	_ =	shalt  }
0x4d: {  	_ =	shalt  }
0x4e: {  	_ =	shalt  }
0x4f: {  	_ =	shalt  }
0x50: {  	_ =	shalt  }
0x51: {  	_ =	shalt  }
0x52: {  	_ =	shalt  }
0x53: {  	_ =	shalt  }
0x54: {  	_ =	shalt  }
0x55: {  	_ =	shalt  }
0x56: {  	_ =	shalt  }
0x57: {  	_ =	shalt  }
0x58: {  	_ =	shalt  }
0x59: {  	_ =	shalt  }
0x5a: {  	_ =	shalt  }
0x5b: {  	_ =	shalt  }
0x5c: {  	_ =	shalt  }
0x5d: {  	_ =	shalt  }
0x5e: {  	_ =	shalt  }
0x5f: {  	_ =	shalt  }
0x60: {  	_ =	shalt  }
0x61: {  	_ =	shalt  }
0x62: {  	_ =	shalt  }
0x63: {  	_ =	shalt  }
0x64: {  	_ =	shalt  }
0x65: {  	_ =	shalt  }
0x66: {  	_ =	shalt  }
0x67: {  	_ =	shalt  }
0x68: {  	_ =	shalt  }
0x69: {  	_ =	shalt  }
0x6a: {  	_ =	shalt  }
0x6b: {  	_ =	shalt  }
0x6c: {  	_ =	shalt  }
0x6d: {  	_ =	shalt  }
0x6e: {  	_ =	shalt  }
0x6f: {  	_ =	shalt  }
0x70: {  	_ =	shalt  }
0x71: {  	_ =	shalt  }
0x72: {  	_ =	shalt  }
0x73: {  	_ =	shalt  }
0x74: {  	_ =	shalt  }
0x75: {  	_ =	shalt  }
0x76: {  	_ =	shalt  }
0x77: {  	_ =	shalt  }
0x78: {  	_ =	shalt  }
0x79: {  	_ =	shalt  }
0x7a: {  	_ =	shalt  }
0x7b: {  	_ =	shalt  }
0x7c: {  	_ =	shalt  }
0x7d: {  	_ =	shalt  }
0x7e: {  	_ =	shalt  }
0x7f: {  	_ =	shalt  }
0x80: {  	_ =	shalt  }
0x81: {  	_ =	shalt  }
0x82: {  	_ =	shalt  }
0x83: {  	_ =	shalt  }
0x84: {  	_ =	shalt  }
0x85: {  	_ =	shalt  }
0x86: {  	_ =	shalt  }
0x87: {  	_ =	shalt  }
.Lfunc_end0:
.L_simem_size_0:
called_computation_lowered:
.L_overlay_start_0:
0x88: {  	s2 =	sld [smem:$0x3FD9]  }
0x89: {  	s3 =	sld [smem:$0x3FFE];
	_ =	sdelay $0x1  }
0x8a: {  	s1 =	srdreg.scid  }
0x8b: {  	s0 =	sand.u32 $0x1, s1  }
0x8c: {  	s17 =	sshll.u32 s0, $0xA;
	s2 =	sadd.s32 s3, s2  }
0x8d: {  	s2 =	sadd.s32 s2, s17  }
0x8e: {  	[smem:$0x3FC2] =	sst s2  }
0x8f: {  	_ = 	snop  }
0x90: {  	s2 =	sld [smem:$0x3FC9]  }
0x91: {  	s18 =	sld [smem:$0x3FD0];
	(tm) =	ssettm $0x1  }
0x92: {  	s4 =	sld [smem:$0x3FFB];
	_ =	sdelay $0x3  }
0x93: {  	_ =	strace s4  }
0x94: {  	s4 =	sld [smem:$0x3FFC];
	_ =	sdelay $0x3  }
0x95: {  	_ =	strace s4  }
0x96: {  	s4 =	sld [smem:$0x3FFD];
	_ =	sdelay $0x3  }
0x97: {  	_ =	strace s4  }
0x98: {  	_ =	strace $0x8FFFFFFF  }
0x99: {  	s19 =	sld [smem:$0x3FDB];
	_ =	sdelay $0x1  }
0x9a: {  	s5 =	simm.s32 $_scs_section_size  }
0x9b: {  	s6 =	simm.s32 $_size__tile_overlayer_lowered;
	s7 =	simm.s32 $_tile_overlayer_lowered  }
0x9c: {  	s22 =	simm.s32 $0x1BFF;
	s21 =	sshll.u32 s7, $0x1;
	s4 =	sadd.s32 s5, s19  }
0x9d: {  	s8 =	simm.s32 $0x0;
	s20 =	sshll.u32 s6, $0x1;
	s6 =	sadd.s32 s21, s4  }
0x9e: {  	[timem:s8], [sflag:s22] =	dma.local [hbm:s6], s20  }
0x9f: {  	_ =	swait.ge [sflag:s22], s20  }
0xa0: {  	s5 =	ssub.s32 $0x0, s20;
	[sflag:s22] =	ssyncset.done $0x0  }
0xa1: {  	[sflag:s22] =	ssyncadd.s32 s5;
	_ =	sdelay $0x1  }
0xa2: {  	s23 =	simm.s32 $0x1B8B  }
0xa3: {  	_ =	swait.ge [sflag:s23], $0x1  }
0xa4: {  	[sflag:s23] =	ssyncset.done $0x0  }
0xa5: {  	s25 =	simm.s32 $0x1B8E;
	s24 =	sld [smem:$0x3FFE];
	[sflag:s23] =	ssyncadd.s32 $0xFFFFFFFF  }
0xa6: {  	s26 =	simm.s32 $execute0_lowered;
	[smem:$0x3FD2] =	sst s25  }
0xa7: {  	s6 =	sshll.u32 s26, $0x1;
	_ =	strace $0x80000046;
	[dreg:$0x1] =	wrdreg $0xFFFFFFFF  }
0xa8: {  	s28 =	simm.s32 $_size_execute0_lowered;
	s4 =	sadd.s32 s4, s6;
	[dreg:$0x0] =	wrdreg $0x0  }
0xa9: {  	s6 =	sshll.u32 s28, $0x1;
	[dreg:$0x2] =	wrdreg s4  }
0xaa: {  	[dreg:$0x3] =	wrdreg s6  }
0xab: {  	[dreg:$0x4] =	wrdreg $0xC0  }
0xac: {  	_ =	task [dreg:s8], $0x5FFFF  }
0xad: {  	[dreg:$0x1] =	wrdreg $0xFFFFFFFF  }
0xae: {  	[dreg:$0x0] =	wrdreg $0x60  }
0xaf: {  	[dreg:$0x2] =	wrdreg s2  }
0xb0: {  	[dreg:$0x3] =	wrdreg s18  }
0xb1: {  	[dreg:$0x4] =	wrdreg s24  }
0xb2: {  	[dreg:$0x5] =	wrdreg $0xBE000  }
0xb3: {  	[dreg:$0x6] =	wrdreg $0x9  }
0xb4: {  	_ =	task.clear_ibuf [dreg:s8], $0x7FFFF;
	_ =	strace $0x90000046  }
0xb5: {  	s29 =	simm.s32 $0x9;
	_ =	strace $0x80000048  }
0xb6: {  	_ =	swait.ge [sflag:s29], $0x1  }
0xb7: {  	[sflag:s29] =	ssyncadd.s32 $0xFFFFFFFF  }
0xb8: {  	_ =	strace $0x90000048  }
0xb9: {  	_ =	sfence  }
0xba: {  	s30 =	sld [smem:$0x0];
	_ =	sdelay $0x2  }
0xbb: {  	s31 =	sshll.u32 s1, $0xD;
	s1 =	sshrl.u32 s1, $0x2  }
0xbc: {  	s3 =	sand.u32 $0x4000, s31;
	s1 =	sadd.s32 s1, s30  }
0xbd: {  	s0 =	sor.u32 s3, s0;
	s1 =	sshll.u32 s1, $0x11  }
0xbe: {  	s0 =	sor.u32 s1, s0  }
0xbf: {  	s0 =	sadd.s32 $0x8F2B, s0  }
0xc0: {  	[sflag:s0] =	ssyncadd.remote.s32 $0x1  }
0xc1: {  	_ =	sfence.sel $0xFFFF  }
0xc2: {  	[dreg:$0x0] =	wrdreg $0xFFFFFFFF;
	(pc) =	sbr.abs _section_cstart, $3  }
0xc3: {  	[dreg:$0x1] =	wrdreg $0xFFFFFFFF  }
0xc4: {  	_ =	task.clear_ibuf [dreg:s8], $0x2FFFF;
	_ =	strace $0x9FFFFFFF  }
0xc5: {  	(tm) =	ssettm $0x7FFFFFFF  }
tec
execute0_lowered:
.L_overlay_start_1:
0x0: {  	(tag) =	ssettag $0x1  }
0x1: {  	s1 =	rddreg [dreg:$0x0]  }
0x2: {  	s7 =	rddreg [dreg:$0x1]  }
0x3: {  	s5 =	rddreg [dreg:$0x2]  }
0x4: {  	s3 =	rddreg [dreg:$0x3]  }
0x5: {  	s0 =	rddreg [dreg:$0x4];
	s2 =	stileid.u32  }
0x6: {  	s6 =	srdreg.scid;
	s4 =	simm.s32 $0x0;
	s15 =	simm.s32 $0x4E00  }
0x7: {  	s16 =	simm.s32 $0x4D00;
	s17 =	simm.s32 $0x8600;
	s18 =	simm.s32 $0x1  }
0x8: {  	s19 =	simm.s32 $0x4C80;
	s20 =	simm.s32 $0x2;
	s8 =	smul.u32 $0x13C00, s2  }
0x9: {  	s21 =	simm.s32 $0x4D80;
	s22 =	simm.s32 $0x0;
	s12 =	smul.u32 $0x4F000, s2  }
0xa: {  	s9 =	sand.u32 $0x1, s6;
	[smem:$0x7FF] =	sst s4;
	s30 =	smul.u32 $0x980, s2  }
0xb: {  	s10 =	sshll.u32 s2, $0x9;
	s31 =	sshll.u32 s2, $0x6;
	s6 =	smul.u32 $0x13C000, s9  }
0xc: {  	_ =	strace $0x80000047;
	s10 =	sadd.s32 s10, s5;
	s26 =	ssub.s32 $0x2, s9  }
0xd: {  	p0 =	seq.s32 s9, $0x1;
	s11 =	sshrl.u32 s8, $0x3;
	s28 =	sshrl.u32 s26, $0x1  }
0xe: {  	s29 =	sshrl.u32 s12, $0x2;
	s7 =	sadd.s32 s7, s30;
	s6 =	sadd.s32 s8, s6  }
.Ltmp0:
0xf: {  	s11 =	sadd.s32 s11, s5;
	s14 =	ssub.s32 s26, s28;
	(pc) =	sbr.rel .LBB2_1-.Ltmp0, $4  }
0x10: {  	s12 =	sadd.s32 s29, s3;
	s8 =	sadd.s32 $0xE00, s10;
	s6 =	sshrl.u32 s6, $0x3  }
0x11: {  	s10 =	smax.u32 s14, $0x1;
	s14 =	simm.s32 $0x4C00;
	s13 =	sadd.s32 s6, s5  }
0x12: {  	s5 =	sadd.s32 $0x2E00, s11;
	s6 =	sor.u32 $0x1C03, s31;
	s11 =	sshrl.u32 s12, $0x3  }
0x13: {  	s12 =	simm.s32 $0x3;
	s9 =	sadd.s32 $0x2A600, s13;
	s13 =	simm.s32 $0x70  }
.LBB2_7:
0x14: {  	v1 =	vand.u32 $0xFFFF, v0  }
0x15: {  	v63 =	vshra.s32 v0, $0x10;
	[tilespmem:$0x4C60] =	vst v1  }
0x16: {  	[tilespmem:$0x4CE0] =	vst v63  }
0x17: {  	[tilespmem:s15], [sflag:$0x1] =	stream.indirect.gather [hbm4b:s1+s13], $0x80, s14, s13, $0xb8;
	[tilespmem:$0x1FA00] =	vst v63  }
0x18: {  	_ =	swait.ge [sflag:s20], $0x3800  }
0x19: {  	[sflag:s20] =	ssyncset.done $0x0  }
0x1a: {  	[sflag:s20] =	ssyncadd.s32 $0xFFFFC800  }
0x1b: {  	[spmem:s3] =	stream.indirect.scatter.add.f32 [tilespmem:s17], [sflag:$0x3], $0x80, s21, s13, $0xb8;
	[tilespmem:$0x1FA00] =	vst v63  }
0x1c: {  	_ =	swait.ge [sflag:s12], $0x3800  }
0x1d: {  	[sflag:s12] =	ssyncset.done $0x0  }
0x1e: {  	[sflag:s12] =	ssyncadd.s32 $0xFFFFC800  }
.LBB2_8:
0x1f: {  	_ =	swait.ge [sflag:s18], $0x3800  }
0x20: {  	[sflag:s18] =	ssyncset.done $0x0  }
0x21: {  	[sflag:s18] =	ssyncadd.s32 $0xFFFFC800  }
0x22: {  	[spmem:s3] =	stream.indirect.scatter.add.f32 [tilespmem:s15], [sflag:$0x3], $0x80, s19, s13, $0xb8;
	[tilespmem:$0x1FA00] =	vst v63  }
0x23: {  	_ =	swait.ge [sflag:s12], $0x3800  }
0x24: {  	s22 =	sadd.s32 $0x1, s22;
	[sflag:s12] =	ssyncset.done $0x0  }
0x25: {  	p1 =	sne.s32 s22, s10;
	[sflag:s12] =	ssyncadd.s32 $0xFFFFC800  }
.Ltmp1:
0x26: {  	[bflag:$0x0] =	sbarrier.arrive $0xFFFF;
	(pc) =	sbr.rel @!p1 .LBB2_9-.Ltmp1, $4  }
0x27: {  	[hbm:s9], [sflag:s6] =	dma.local [spmem:s11], $0x2780  }
0x28: {  	_ =	swait.ge [sflag:s12], $0x2780  }
0x29: {  	[sflag:s12] =	ssyncset.done $0x0  }
0x2a: {  	[sflag:s12] =	ssyncadd.s32 $0xFFFFD880  }
.LBB2_1:
0x2b: {  	[spmem:s11], [sflag:s6] =	dma.local [hbm:s5], $0x2780  }
.Ltmp2:
0x2c: {  	_ =	swait.ge [sflag:s12], $0x2780;
	(pc) =	sbr.rel @!p0 .LBB2_2-.Ltmp2, $3  }
0x2d: {  	[sflag:s12] =	ssyncset.done $0x0  }
0x2e: {  	[sflag:s12] =	ssyncadd.s32 $0xFFFFD880  }
0x2f: {  	[bflag:$0x0] =	sbarrier.arrive $0xFFFF;
	_ =	sdelay $0x1  }
0x30: {  	s23 =	simm.s32 $0x0  }
0x31: {  	[tilespmem:s23], [sflag:$0x3] =	stream.linear.gather [hbm4b:s8+s23], $0xF80, $0x38;
	[tilespmem:$0x1FA00] =	vst v63  }
0x32: {  	_ =	swait.ge [sflag:s12], $0xF80  }
0x33: {  	[sflag:s12] =	ssyncset.done $0x0  }
0x34: {  	[sflag:s12] =	ssyncadd.s32 $0xFFFFF080  }
0x35: {  	v0 =	vld [tilespmem:$0x0];
	_ =	sdelay $0x1  }
0x36: {  	v1 =	vld [tilespmem:$0x10];
	_ =	sdelay $0x1  }
0x37: {  	v2 =	vld [tilespmem:$0x20]  }
0x38: {  	v3 =	vand.u32 $0xFFFF, v0  }
0x39: {  	v0 =	vshra.s32 v0, $0x10;
	[tilespmem:$0x4C00] =	vst v3;
	v3 =	vld [tilespmem:$0x30]  }
0x3a: {  	[tilespmem:$0x4C80] =	vst v0;
	v0 =	vand.u32 $0xFFFF, v1  }
0x3b: {  	[tilespmem:$0x4C10] =	vst v0;
	v0 =	vshra.s32 v1, $0x10;
	v1 =	vld [tilespmem:$0x40]  }
0x3c: {  	[tilespmem:$0x4C90] =	vst v0;
	v0 =	vand.u32 $0xFFFF, v2  }
0x3d: {  	[tilespmem:$0x4C20] =	vst v0;
	v0 =	vshra.s32 v2, $0x10;
	v2 =	vld [tilespmem:$0x50]  }
0x3e: {  	[tilespmem:$0x4CA0] =	vst v0;
	v0 =	vand.u32 $0xFFFF, v3  }
0x3f: {  	[tilespmem:$0x4C30] =	vst v0;
	v0 =	vshra.s32 v3, $0x10;
	v3 =	vld [tilespmem:$0x60]  }
0x40: {  	[tilespmem:$0x4CB0] =	vst v0;
	v0 =	vand.u32 $0xFFFF, v1  }
0x41: {  	[tilespmem:$0x4C40] =	vst v0;
	v0 =	vshra.s32 v1, $0x10  }
0x42: {  	[tilespmem:$0x4CC0] =	vst v0;
	v0 =	vand.u32 $0xFFFF, v2  }
0x43: {  	[tilespmem:$0x4C50] =	vst v0;
	v0 =	vshra.s32 v2, $0x10  }
0x44: {  	[tilespmem:$0x4CD0] =	vst v0;
	v0 =	vand.u32 $0xFFFF, v3  }
0x45: {  	[tilespmem:$0x4C60] =	vst v0;
	v0 =	vshra.s32 v3, $0x10  }
0x46: {  	s24 =	simm.s32 $0x0;
	[tilespmem:$0x4CE0] =	vst v0  }
0x47: {  	[tilespmem:s15], [sflag:$0x1] =	stream.indirect.gather [hbm4b:s1+s13], $0x80, s14, s13, $0xb8;
	[tilespmem:$0x1FA00] =	vst v63  }
0x48: {  	v0 =	vld [tilespmem:s24+$0x80];
	_ =	sdelay $0x4  }
0x49: {  	v1 =	vand.u32 $0xFFFF, v0  }
0x4a: {  	v0 =	vshra.s32 v0, $0x10;
	[tilespmem:$0x4D00] =	vst v1  }
0x4b: {  	[tilespmem:$0x4D80] =	vst v0  }
0x4c: {  	v0 =	vld [tilespmem:s24+$0x90];
	_ =	sdelay $0x4  }
0x4d: {  	v1 =	vand.u32 $0xFFFF, v0  }
0x4e: {  	v0 =	vshra.s32 v0, $0x10;
	[tilespmem:$0x4D10] =	vst v1  }
0x4f: {  	[tilespmem:$0x4D90] =	vst v0  }
0x50: {  	v0 =	vld [tilespmem:s24+$0xA0];
	_ =	sdelay $0x4  }
0x51: {  	v1 =	vand.u32 $0xFFFF, v0  }
0x52: {  	v0 =	vshra.s32 v0, $0x10;
	[tilespmem:$0x4D20] =	vst v1  }
0x53: {  	[tilespmem:$0x4DA0] =	vst v0  }
0x54: {  	v0 =	vld [tilespmem:s24+$0xB0];
	_ =	sdelay $0x4  }
0x55: {  	v1 =	vand.u32 $0xFFFF, v0  }
0x56: {  	v0 =	vshra.s32 v0, $0x10;
	[tilespmem:$0x4D30] =	vst v1  }
0x57: {  	[tilespmem:$0x4DB0] =	vst v0  }
0x58: {  	v0 =	vld [tilespmem:s24+$0xC0];
	_ =	sdelay $0x4  }
0x59: {  	v1 =	vand.u32 $0xFFFF, v0  }
0x5a: {  	v0 =	vshra.s32 v0, $0x10;
	[tilespmem:$0x4D40] =	vst v1  }
0x5b: {  	[tilespmem:$0x4DC0] =	vst v0  }
0x5c: {  	v0 =	vld [tilespmem:s24+$0xD0];
	_ =	sdelay $0x4  }
0x5d: {  	v1 =	vand.u32 $0xFFFF, v0  }
0x5e: {  	v0 =	vshra.s32 v0, $0x10;
	[tilespmem:$0x4D50] =	vst v1  }
0x5f: {  	[tilespmem:$0x4DD0] =	vst v0  }
0x60: {  	v0 =	vld [tilespmem:s24+$0xE0];
	_ =	sdelay $0x4  }
0x61: {  	v1 =	vand.u32 $0xFFFF, v0  }
0x62: {  	v0 =	vshra.s32 v0, $0x10;
	[tilespmem:$0x4D60] =	vst v1  }
0x63: {  	[tilespmem:$0x4DE0] =	vst v0  }
0x64: {  	[tilespmem:s17], [sflag:$0x2] =	stream.indirect.gather [hbm4b:s1+s13], $0x80, s16, s13, $0xb8;
	[tilespmem:$0x1FA00] =	vst v63  }
0x65: {  	_ =	swait.ge [sflag:s18], $0x3800  }
0x66: {  	[sflag:s18] =	ssyncset.done $0x0  }
0x67: {  	[sflag:s18] =	ssyncadd.s32 $0xFFFFC800  }
0x68: {  	[spmem:s3] =	stream.indirect.scatter.add.f32 [tilespmem:s15], [sflag:$0x3], $0x80, s19, s13, $0xb8;
	[tilespmem:$0x1FA00] =	vst v63  }
0x69: {  	_ =	swait.ge [sflag:s12], $0x3800  }
0x6a: {  	[sflag:s12] =	ssyncset.done $0x0  }
0x6b: {  	[sflag:s12] =	ssyncadd.s32 $0xFFFFC800  }
0x6c: {  	v0 =	vld [tilespmem:s24+$0x100];
	_ =	sdelay $0x4  }
0x6d: {  	v1 =	vand.u32 $0xFFFF, v0  }
0x6e: {  	v0 =	vshra.s32 v0, $0x10;
	[tilespmem:$0x4C00] =	vst v1  }
0x6f: {  	[tilespmem:$0x4C80] =	vst v0  }
0x70: {  	v0 =	vld [tilespmem:s24+$0x110];
	_ =	sdelay $0x4  }
0x71: {  	v1 =	vand.u32 $0xFFFF, v0  }
0x72: {  	v0 =	vshra.s32 v0, $0x10;
	[tilespmem:$0x4C10] =	vst v1  }
0x73: {  	[tilespmem:$0x4C90] =	vst v0  }
0x74: {  	v0 =	vld [tilespmem:s24+$0x120];
	_ =	sdelay $0x4  }
0x75: {  	v1 =	vand.u32 $0xFFFF, v0  }
0x76: {  	v0 =	vshra.s32 v0, $0x10;
	[tilespmem:$0x4C20] =	vst v1  }
0x77: {  	[tilespmem:$0x4CA0] =	vst v0  }
0x78: {  	v0 =	vld [tilespmem:s24+$0x130];
	_ =	sdelay $0x4  }
0x79: {  	v1 =	vand.u32 $0xFFFF, v0  }
0x7a: {  	v0 =	vshra.s32 v0, $0x10;
	[tilespmem:$0x4C30] =	vst v1  }
0x7b: {  	[tilespmem:$0x4CB0] =	vst v0  }
0x7c: {  	v0 =	vld [tilespmem:s24+$0x140];
	_ =	sdelay $0x4  }
0x7d: {  	v1 =	vand.u32 $0xFFFF, v0  }
0x7e: {  	v0 =	vshra.s32 v0, $0x10;
	[tilespmem:$0x4C40] =	vst v1  }
0x7f: {  	[tilespmem:$0x4CC0] =	vst v0  }
0x80: {  	v0 =	vld [tilespmem:s24+$0x150];
	_ =	sdelay $0x4  }
0x81: {  	v1 =	vand.u32 $0xFFFF, v0  }
0x82: {  	v0 =	vshra.s32 v0, $0x10;
	[tilespmem:$0x4C50] =	vst v1  }
0x83: {  	[tilespmem:$0x4CD0] =	vst v0  }
0x84: {  	s23 =	simm.s32 $0x400;
	v0 =	vld [tilespmem:s24+$0x160]  }
.LBB2_6:
0x85: {  	p1 =	sne.s32 s23, $0x3800;
	s24 =	smov.u32 s23;
	s23 =	sadd.s32 $0x400, s23  }
0x86: {  	_ =	sdelay $0x2  }
0x87: {  	v1 =	vand.u32 $0xFFFF, v0;
	v0 =	vshra.s32 v0, $0x10  }
0x88: {  	[tilespmem:$0x4C60] =	vst v1  }
0x89: {  	[tilespmem:$0x4CE0] =	vst v0  }
0x8a: {  	[tilespmem:s15], [sflag:$0x1] =	stream.indirect.gather [hbm4b:s1+s13], $0x80, s14, s13, $0xb8;
	[tilespmem:$0x1FA00] =	vst v63  }
0x8b: {  	_ =	swait.ge [sflag:s20], $0x3800  }
0x8c: {  	[sflag:s20] =	ssyncset.done $0x0  }
0x8d: {  	[sflag:s20] =	ssyncadd.s32 $0xFFFFC800  }
0x8e: {  	[spmem:s3] =	stream.indirect.scatter.add.f32 [tilespmem:s17], [sflag:$0x3], $0x80, s21, s13, $0xb8;
	[tilespmem:$0x1FA00] =	vst v63  }
0x8f: {  	_ =	swait.ge [sflag:s12], $0x3800  }
0x90: {  	[sflag:s12] =	ssyncset.done $0x0  }
0x91: {  	s24 =	sshra.s32 s24, $0x2;
	[sflag:s12] =	ssyncadd.s32 $0xFFFFC800  }
0x92: {  	v0 =	vld [tilespmem:s24+$0x80];
	_ =	sdelay $0x4  }
0x93: {  	v1 =	vand.u32 $0xFFFF, v0;
	v0 =	vshra.s32 v0, $0x10  }
0x94: {  	[tilespmem:$0x4D00] =	vst v1  }
0x95: {  	[tilespmem:$0x4D80] =	vst v0  }
0x96: {  	v0 =	vld [tilespmem:s24+$0x90];
	_ =	sdelay $0x4  }
0x97: {  	v1 =	vand.u32 $0xFFFF, v0;
	v0 =	vshra.s32 v0, $0x10  }
0x98: {  	[tilespmem:$0x4D10] =	vst v1  }
0x99: {  	[tilespmem:$0x4D90] =	vst v0  }
0x9a: {  	v0 =	vld [tilespmem:s24+$0xA0];
	_ =	sdelay $0x4  }
0x9b: {  	v1 =	vand.u32 $0xFFFF, v0;
	v0 =	vshra.s32 v0, $0x10  }
0x9c: {  	[tilespmem:$0x4D20] =	vst v1  }
0x9d: {  	[tilespmem:$0x4DA0] =	vst v0  }
0x9e: {  	v0 =	vld [tilespmem:s24+$0xB0];
	_ =	sdelay $0x4  }
0x9f: {  	v1 =	vand.u32 $0xFFFF, v0;
	v0 =	vshra.s32 v0, $0x10  }
0xa0: {  	[tilespmem:$0x4D30] =	vst v1  }
0xa1: {  	[tilespmem:$0x4DB0] =	vst v0  }
0xa2: {  	v0 =	vld [tilespmem:s24+$0xC0];
	_ =	sdelay $0x4  }
0xa3: {  	v1 =	vand.u32 $0xFFFF, v0;
	v0 =	vshra.s32 v0, $0x10  }
0xa4: {  	[tilespmem:$0x4D40] =	vst v1  }
0xa5: {  	[tilespmem:$0x4DC0] =	vst v0  }
0xa6: {  	v0 =	vld [tilespmem:s24+$0xD0];
	_ =	sdelay $0x4  }
0xa7: {  	v1 =	vand.u32 $0xFFFF, v0;
	v0 =	vshra.s32 v0, $0x10  }
0xa8: {  	[tilespmem:$0x4D50] =	vst v1  }
0xa9: {  	[tilespmem:$0x4DD0] =	vst v0  }
0xaa: {  	v0 =	vld [tilespmem:s24+$0xE0];
	_ =	sdelay $0x4  }
0xab: {  	v1 =	vand.u32 $0xFFFF, v0;
	v0 =	vshra.s32 v0, $0x10  }
0xac: {  	[tilespmem:$0x4D60] =	vst v1  }
0xad: {  	[tilespmem:$0x4DE0] =	vst v0  }
0xae: {  	[tilespmem:s17], [sflag:$0x2] =	stream.indirect.gather [hbm4b:s1+s13], $0x80, s16, s13, $0xb8;
	[tilespmem:$0x1FA00] =	vst v63  }
0xaf: {  	_ =	swait.ge [sflag:s18], $0x3800  }
0xb0: {  	[sflag:s18] =	ssyncset.done $0x0  }
0xb1: {  	[sflag:s18] =	ssyncadd.s32 $0xFFFFC800  }
0xb2: {  	[spmem:s3] =	stream.indirect.scatter.add.f32 [tilespmem:s15], [sflag:$0x3], $0x80, s19, s13, $0xb8;
	[tilespmem:$0x1FA00] =	vst v63  }
0xb3: {  	_ =	swait.ge [sflag:s12], $0x3800  }
0xb4: {  	[sflag:s12] =	ssyncset.done $0x0  }
0xb5: {  	[sflag:s12] =	ssyncadd.s32 $0xFFFFC800  }
0xb6: {  	v0 =	vld [tilespmem:s24+$0x100];
	_ =	sdelay $0x4  }
0xb7: {  	v1 =	vand.u32 $0xFFFF, v0;
	v0 =	vshra.s32 v0, $0x10  }
0xb8: {  	[tilespmem:$0x4C00] =	vst v1  }
0xb9: {  	[tilespmem:$0x4C80] =	vst v0  }
0xba: {  	v0 =	vld [tilespmem:s24+$0x110];
	_ =	sdelay $0x4  }
0xbb: {  	v1 =	vand.u32 $0xFFFF, v0;
	v0 =	vshra.s32 v0, $0x10  }
0xbc: {  	[tilespmem:$0x4C10] =	vst v1  }
0xbd: {  	[tilespmem:$0x4C90] =	vst v0  }
0xbe: {  	v0 =	vld [tilespmem:s24+$0x120];
	_ =	sdelay $0x4  }
0xbf: {  	v1 =	vand.u32 $0xFFFF, v0;
	v0 =	vshra.s32 v0, $0x10  }
0xc0: {  	[tilespmem:$0x4C20] =	vst v1  }
0xc1: {  	[tilespmem:$0x4CA0] =	vst v0  }
0xc2: {  	v0 =	vld [tilespmem:s24+$0x130];
	_ =	sdelay $0x4  }
0xc3: {  	v1 =	vand.u32 $0xFFFF, v0;
	v0 =	vshra.s32 v0, $0x10  }
0xc4: {  	[tilespmem:$0x4C30] =	vst v1  }
0xc5: {  	[tilespmem:$0x4CB0] =	vst v0  }
0xc6: {  	v0 =	vld [tilespmem:s24+$0x140];
	_ =	sdelay $0x4  }
0xc7: {  	v1 =	vand.u32 $0xFFFF, v0;
	v0 =	vshra.s32 v0, $0x10  }
0xc8: {  	[tilespmem:$0x4C40] =	vst v1  }
0xc9: {  	[tilespmem:$0x4CC0] =	vst v0  }
0xca: {  	v0 =	vld [tilespmem:s24+$0x150];
	_ =	sdelay $0x3  }
.Ltmp3:
0xcb: {  	(pc) =	sbr.rel @p1 .LBB2_6-.Ltmp3, $4  }
0xcc: {  	v1 =	vand.u32 $0xFFFF, v0;
	v0 =	vshra.s32 v0, $0x10  }
0xcd: {  	[tilespmem:$0x4C50] =	vst v1  }
0xce: {  	[tilespmem:$0x4CD0] =	vst v0  }
0xcf: {  	v0 =	vld [tilespmem:s24+$0x160]  }
.Ltmp4:
0xd0: {  	_ = 	snop;
	(pc) =	sbr.rel .LBB2_7-.Ltmp4, $1  }
0xd1: {  	_ =	sdelay $0x3  }
.LBB2_2:
0xd2: {  	[tilespmem:s4], [sflag:$0x3] =	stream.linear.gather [hbm4b:s7+s4], $0x4A80, $0x38;
	[tilespmem:$0x1FA00] =	vst v63  }
0xd3: {  	_ =	swait.ge [sflag:s12], $0x4A80  }
0xd4: {  	[sflag:s12] =	ssyncset.done $0x0  }
0xd5: {  	[sflag:s12] =	ssyncadd.s32 $0xFFFFB580  }
0xd6: {  	v0 =	vld [tilespmem:$0x0];
	_ =	sdelay $0x1  }
0xd7: {  	v1 =	vld [tilespmem:$0x10];
	_ =	sdelay $0x1  }
0xd8: {  	v2 =	vld [tilespmem:$0x20]  }
0xd9: {  	v3 =	vand.u32 $0xFFFF, v0  }
0xda: {  	v0 =	vshra.s32 v0, $0x10;
	[tilespmem:$0x4C00] =	vst v3;
	v3 =	vld [tilespmem:$0x30]  }
0xdb: {  	[tilespmem:$0x4C80] =	vst v0;
	v0 =	vand.u32 $0xFFFF, v1  }
0xdc: {  	[tilespmem:$0x4C10] =	vst v0;
	v0 =	vshra.s32 v1, $0x10;
	v1 =	vld [tilespmem:$0x40]  }
0xdd: {  	[tilespmem:$0x4C90] =	vst v0;
	v0 =	vand.u32 $0xFFFF, v2  }
0xde: {  	[tilespmem:$0x4C20] =	vst v0;
	v0 =	vshra.s32 v2, $0x10;
	v2 =	vld [tilespmem:$0x50]  }
0xdf: {  	[tilespmem:$0x4CA0] =	vst v0;
	v0 =	vand.u32 $0xFFFF, v3  }
0xe0: {  	[tilespmem:$0x4C30] =	vst v0;
	v0 =	vshra.s32 v3, $0x10;
	v3 =	vld [tilespmem:$0x60]  }
0xe1: {  	[tilespmem:$0x4CB0] =	vst v0;
	v0 =	vand.u32 $0xFFFF, v1  }
0xe2: {  	[tilespmem:$0x4C40] =	vst v0;
	v0 =	vshra.s32 v1, $0x10  }
0xe3: {  	[tilespmem:$0x4CC0] =	vst v0;
	v0 =	vand.u32 $0xFFFF, v2  }
0xe4: {  	[tilespmem:$0x4C50] =	vst v0;
	v0 =	vshra.s32 v2, $0x10  }
0xe5: {  	[tilespmem:$0x4CD0] =	vst v0;
	v0 =	vand.u32 $0xFFFF, v3  }
0xe6: {  	[tilespmem:$0x4C60] =	vst v0;
	v0 =	vshra.s32 v3, $0x10  }
0xe7: {  	s24 =	simm.s32 $0x160;
	[tilespmem:$0x4CE0] =	vst v0  }
0xe8: {  	[tilespmem:s15], [sflag:$0x1] =	stream.indirect.gather [hbm4b:s1+s13], $0x80, s14, s13, $0xb8;
	[tilespmem:$0x1FA00] =	vst v63  }
0xe9: {  	v0 =	vld [tilespmem:s24+$0xFFFFFF20];
	_ =	sdelay $0x4  }
0xea: {  	v1 =	vand.u32 $0xFFFF, v0  }
0xeb: {  	v0 =	vshra.s32 v0, $0x10;
	[tilespmem:$0x4D00] =	vst v1  }
0xec: {  	[tilespmem:$0x4D80] =	vst v0  }
0xed: {  	v0 =	vld [tilespmem:s24+$0xFFFFFF30];
	_ =	sdelay $0x4  }
0xee: {  	v1 =	vand.u32 $0xFFFF, v0  }
0xef: {  	v0 =	vshra.s32 v0, $0x10;
	[tilespmem:$0x4D10] =	vst v1  }
0xf0: {  	[tilespmem:$0x4D90] =	vst v0  }
0xf1: {  	v0 =	vld [tilespmem:s24+$0xFFFFFF40];
	_ =	sdelay $0x4  }
0xf2: {  	v1 =	vand.u32 $0xFFFF, v0  }
0xf3: {  	v0 =	vshra.s32 v0, $0x10;
	[tilespmem:$0x4D20] =	vst v1  }
0xf4: {  	[tilespmem:$0x4DA0] =	vst v0  }
0xf5: {  	v0 =	vld [tilespmem:s24+$0xFFFFFF50];
	_ =	sdelay $0x4  }
0xf6: {  	v1 =	vand.u32 $0xFFFF, v0  }
0xf7: {  	v0 =	vshra.s32 v0, $0x10;
	[tilespmem:$0x4D30] =	vst v1  }
0xf8: {  	[tilespmem:$0x4DB0] =	vst v0  }
0xf9: {  	v0 =	vld [tilespmem:s24+$0xFFFFFF60];
	_ =	sdelay $0x4  }
0xfa: {  	v1 =	vand.u32 $0xFFFF, v0  }
0xfb: {  	v0 =	vshra.s32 v0, $0x10;
	[tilespmem:$0x4D40] =	vst v1  }
0xfc: {  	[tilespmem:$0x4DC0] =	vst v0  }
0xfd: {  	v0 =	vld [tilespmem:s24+$0xFFFFFF70];
	_ =	sdelay $0x4  }
0xfe: {  	v1 =	vand.u32 $0xFFFF, v0  }
0xff: {  	v0 =	vshra.s32 v0, $0x10;
	[tilespmem:$0x4D50] =	vst v1  }
0x100: {  	[tilespmem:$0x4DD0] =	vst v0  }
0x101: {  	v0 =	vld [tilespmem:s24+$0xFFFFFF80];
	_ =	sdelay $0x4  }
0x102: {  	v1 =	vand.u32 $0xFFFF, v0  }
0x103: {  	v0 =	vshra.s32 v0, $0x10;
	[tilespmem:$0x4D60] =	vst v1  }
0x104: {  	[tilespmem:$0x4DE0] =	vst v0  }
0x105: {  	[tilespmem:s17], [sflag:$0x2] =	stream.indirect.gather [hbm4b:s1+s13], $0x80, s16, s13, $0xb8;
	[tilespmem:$0x1FA00] =	vst v63  }
0x106: {  	_ =	swait.ge [sflag:s18], $0x3800  }
0x107: {  	[sflag:s18] =	ssyncset.done $0x0  }
0x108: {  	[sflag:s18] =	ssyncadd.s32 $0xFFFFC800  }
0x109: {  	[spmem:s3] =	stream.indirect.scatter.add.f32 [tilespmem:s15], [sflag:$0x3], $0x80, s19, s13, $0xb8;
	[tilespmem:$0x1FA00] =	vst v63  }
0x10a: {  	_ =	swait.ge [sflag:s12], $0x3800  }
0x10b: {  	[sflag:s12] =	ssyncset.done $0x0  }
0x10c: {  	[sflag:s12] =	ssyncadd.s32 $0xFFFFC800  }
0x10d: {  	v0 =	vld [tilespmem:s24+$0xFFFFFFA0];
	_ =	sdelay $0x4  }
0x10e: {  	v1 =	vand.u32 $0xFFFF, v0  }
0x10f: {  	v0 =	vshra.s32 v0, $0x10;
	[tilespmem:$0x4C00] =	vst v1  }
0x110: {  	[tilespmem:$0x4C80] =	vst v0  }
0x111: {  	v0 =	vld [tilespmem:s24+$0xFFFFFFB0];
	_ =	sdelay $0x4  }
0x112: {  	v1 =	vand.u32 $0xFFFF, v0  }
0x113: {  	v0 =	vshra.s32 v0, $0x10;
	[tilespmem:$0x4C10] =	vst v1  }
0x114: {  	[tilespmem:$0x4C90] =	vst v0  }
0x115: {  	v0 =	vld [tilespmem:s24+$0xFFFFFFC0];
	_ =	sdelay $0x4  }
0x116: {  	v1 =	vand.u32 $0xFFFF, v0  }
0x117: {  	v0 =	vshra.s32 v0, $0x10;
	[tilespmem:$0x4C20] =	vst v1  }
0x118: {  	[tilespmem:$0x4CA0] =	vst v0  }
0x119: {  	v0 =	vld [tilespmem:s24+$0xFFFFFFD0];
	_ =	sdelay $0x4  }
0x11a: {  	v1 =	vand.u32 $0xFFFF, v0  }
0x11b: {  	v0 =	vshra.s32 v0, $0x10;
	[tilespmem:$0x4C30] =	vst v1  }
0x11c: {  	[tilespmem:$0x4CB0] =	vst v0  }
0x11d: {  	v0 =	vld [tilespmem:s24+$0xFFFFFFE0];
	_ =	sdelay $0x4  }
0x11e: {  	v1 =	vand.u32 $0xFFFF, v0  }
0x11f: {  	v0 =	vshra.s32 v0, $0x10;
	[tilespmem:$0x4C40] =	vst v1  }
0x120: {  	[tilespmem:$0x4CC0] =	vst v0  }
0x121: {  	v0 =	vld [tilespmem:s24+$0xFFFFFFF0];
	_ =	sdelay $0x4  }
0x122: {  	v1 =	vand.u32 $0xFFFF, v0  }
0x123: {  	v0 =	vshra.s32 v0, $0x10;
	[tilespmem:$0x4C50] =	vst v1  }
0x124: {  	[tilespmem:$0x4CD0] =	vst v0  }
0x125: {  	s23 =	simm.s32 $0x980;
	v0 =	vld [tilespmem:s24+$0x0]  }
.LBB2_3:
0x126: {  	p1 =	seq.s32 s23, $0x12980;
	s24 =	smov.u32 s23;
	s23 =	sadd.s32 $0x400, s23  }
0x127: {  	_ =	sdelay $0x2  }
0x128: {  	v1 =	vand.u32 $0xFFFF, v0;
	v0 =	vshra.s32 v0, $0x10  }
0x129: {  	[tilespmem:$0x4C60] =	vst v1  }
0x12a: {  	[tilespmem:$0x4CE0] =	vst v0  }
0x12b: {  	[tilespmem:s15], [sflag:$0x1] =	stream.indirect.gather [hbm4b:s1+s13], $0x80, s14, s13, $0xb8;
	[tilespmem:$0x1FA00] =	vst v63  }
0x12c: {  	_ =	swait.ge [sflag:s20], $0x3800  }
0x12d: {  	[sflag:s20] =	ssyncset.done $0x0  }
0x12e: {  	[sflag:s20] =	ssyncadd.s32 $0xFFFFC800  }
0x12f: {  	[spmem:s3] =	stream.indirect.scatter.add.f32 [tilespmem:s17], [sflag:$0x3], $0x80, s21, s13, $0xb8;
	[tilespmem:$0x1FA00] =	vst v63  }
0x130: {  	_ =	swait.ge [sflag:s12], $0x3800  }
0x131: {  	[sflag:s12] =	ssyncset.done $0x0  }
0x132: {  	s24 =	sshra.s32 s24, $0x2;
	[sflag:s12] =	ssyncadd.s32 $0xFFFFC800  }
0x133: {  	v0 =	vld [tilespmem:s24+$0xFFFFFF20];
	_ =	sdelay $0x4  }
0x134: {  	v1 =	vand.u32 $0xFFFF, v0;
	v0 =	vshra.s32 v0, $0x10  }
0x135: {  	[tilespmem:$0x4D00] =	vst v1  }
0x136: {  	[tilespmem:$0x4D80] =	vst v0  }
0x137: {  	v0 =	vld [tilespmem:s24+$0xFFFFFF30];
	_ =	sdelay $0x4  }
0x138: {  	v1 =	vand.u32 $0xFFFF, v0;
	v0 =	vshra.s32 v0, $0x10  }
0x139: {  	[tilespmem:$0x4D10] =	vst v1  }
0x13a: {  	[tilespmem:$0x4D90] =	vst v0  }
0x13b: {  	v0 =	vld [tilespmem:s24+$0xFFFFFF40];
	_ =	sdelay $0x4  }
0x13c: {  	v1 =	vand.u32 $0xFFFF, v0;
	v0 =	vshra.s32 v0, $0x10  }
0x13d: {  	[tilespmem:$0x4D20] =	vst v1  }
0x13e: {  	[tilespmem:$0x4DA0] =	vst v0  }
0x13f: {  	v0 =	vld [tilespmem:s24+$0xFFFFFF50];
	_ =	sdelay $0x4  }
0x140: {  	v1 =	vand.u32 $0xFFFF, v0;
	v0 =	vshra.s32 v0, $0x10  }
0x141: {  	[tilespmem:$0x4D30] =	vst v1  }
0x142: {  	[tilespmem:$0x4DB0] =	vst v0  }
0x143: {  	v0 =	vld [tilespmem:s24+$0xFFFFFF60];
	_ =	sdelay $0x4  }
0x144: {  	v1 =	vand.u32 $0xFFFF, v0;
	v0 =	vshra.s32 v0, $0x10  }
0x145: {  	[tilespmem:$0x4D40] =	vst v1  }
0x146: {  	[tilespmem:$0x4DC0] =	vst v0  }
0x147: {  	v0 =	vld [tilespmem:s24+$0xFFFFFF70];
	_ =	sdelay $0x4  }
0x148: {  	v1 =	vand.u32 $0xFFFF, v0;
	v0 =	vshra.s32 v0, $0x10  }
0x149: {  	[tilespmem:$0x4D50] =	vst v1  }
0x14a: {  	[tilespmem:$0x4DD0] =	vst v0  }
0x14b: {  	v0 =	vld [tilespmem:s24+$0xFFFFFF80];
	_ =	sdelay $0x4  }
0x14c: {  	v1 =	vand.u32 $0xFFFF, v0;
	v0 =	vshra.s32 v0, $0x10  }
0x14d: {  	[tilespmem:$0x4D60] =	vst v1  }
0x14e: {  	[tilespmem:$0x4DE0] =	vst v0  }
0x14f: {  	[tilespmem:s17], [sflag:$0x2] =	stream.indirect.gather [hbm4b:s1+s13], $0x80, s16, s13, $0xb8;
	[tilespmem:$0x1FA00] =	vst v63  }
0x150: {  	_ =	swait.ge [sflag:s18], $0x3800  }
0x151: {  	[sflag:s18] =	ssyncset.done $0x0  }
0x152: {  	[sflag:s18] =	ssyncadd.s32 $0xFFFFC800  }
0x153: {  	[spmem:s3] =	stream.indirect.scatter.add.f32 [tilespmem:s15], [sflag:$0x3], $0x80, s19, s13, $0xb8;
	[tilespmem:$0x1FA00] =	vst v63  }
0x154: {  	_ =	swait.ge [sflag:s12], $0x3800  }
0x155: {  	[sflag:s12] =	ssyncset.done $0x0  }
0x156: {  	[sflag:s12] =	ssyncadd.s32 $0xFFFFC800  }
0x157: {  	v0 =	vld [tilespmem:s24+$0xFFFFFFA0];
	_ =	sdelay $0x4  }
0x158: {  	v1 =	vand.u32 $0xFFFF, v0;
	v0 =	vshra.s32 v0, $0x10  }
0x159: {  	[tilespmem:$0x4C00] =	vst v1  }
0x15a: {  	[tilespmem:$0x4C80] =	vst v0  }
0x15b: {  	v0 =	vld [tilespmem:s24+$0xFFFFFFB0];
	_ =	sdelay $0x4  }
0x15c: {  	v1 =	vand.u32 $0xFFFF, v0;
	v0 =	vshra.s32 v0, $0x10  }
0x15d: {  	[tilespmem:$0x4C10] =	vst v1  }
0x15e: {  	[tilespmem:$0x4C90] =	vst v0  }
0x15f: {  	v0 =	vld [tilespmem:s24+$0xFFFFFFC0];
	_ =	sdelay $0x4  }
0x160: {  	v1 =	vand.u32 $0xFFFF, v0;
	v0 =	vshra.s32 v0, $0x10  }
0x161: {  	[tilespmem:$0x4C20] =	vst v1  }
0x162: {  	[tilespmem:$0x4CA0] =	vst v0  }
0x163: {  	v0 =	vld [tilespmem:s24+$0xFFFFFFD0];
	_ =	sdelay $0x4  }
0x164: {  	v1 =	vand.u32 $0xFFFF, v0;
	v0 =	vshra.s32 v0, $0x10  }
0x165: {  	[tilespmem:$0x4C30] =	vst v1  }
0x166: {  	[tilespmem:$0x4CB0] =	vst v0  }
0x167: {  	v0 =	vld [tilespmem:s24+$0xFFFFFFE0];
	_ =	sdelay $0x4  }
0x168: {  	v1 =	vand.u32 $0xFFFF, v0;
	v0 =	vshra.s32 v0, $0x10  }
0x169: {  	[tilespmem:$0x4C40] =	vst v1  }
0x16a: {  	[tilespmem:$0x4CC0] =	vst v0  }
0x16b: {  	v0 =	vld [tilespmem:s24+$0xFFFFFFF0];
	_ =	sdelay $0x3  }
.Ltmp5:
0x16c: {  	(pc) =	sbr.rel @!p1 .LBB2_3-.Ltmp5, $4  }
0x16d: {  	v1 =	vand.u32 $0xFFFF, v0;
	v0 =	vshra.s32 v0, $0x10  }
0x16e: {  	[tilespmem:$0x4C50] =	vst v1  }
0x16f: {  	[tilespmem:$0x4CD0] =	vst v0  }
0x170: {  	v0 =	vld [tilespmem:s24+$0x0]  }
0x171: {  	_ =	sdelay $0x3  }
0x172: {  	v1 =	vand.u32 $0xFFFF, v0  }
0x173: {  	v63 =	vshra.s32 v0, $0x10;
	[tilespmem:$0x4C60] =	vst v1  }
0x174: {  	[tilespmem:$0x4CE0] =	vst v63  }
0x175: {  	[tilespmem:s15], [sflag:$0x1] =	stream.indirect.gather [hbm4b:s1+s13], $0x80, s14, s13, $0xb8;
	[tilespmem:$0x1FA00] =	vst v63  }
0x176: {  	_ =	swait.ge [sflag:s20], $0x3800  }
0x177: {  	[sflag:s20] =	ssyncset.done $0x0  }
.Ltmp6:
0x178: {  	[sflag:s20] =	ssyncadd.s32 $0xFFFFC800;
	(pc) =	sbr.rel .LBB2_8-.Ltmp6, $4  }
0x179: {  	[spmem:s3] =	stream.indirect.scatter.add.f32 [tilespmem:s17], [sflag:$0x3], $0x80, s21, s13, $0xb8;
	[tilespmem:$0x1FA00] =	vst v63  }
0x17a: {  	_ =	swait.ge [sflag:s12], $0x3800  }
0x17b: {  	[sflag:s12] =	ssyncset.done $0x0  }
0x17c: {  	[sflag:s12] =	ssyncadd.s32 $0xFFFFC800  }
.LBB2_9:
0x17d: {  	_ =	sfence.sel $0x180000  }
0x17e: {  	[bflag:$0x0] =	sbarrier.arrive $0xFFFF  }
0x17f: {  	p0 =	sne.s32 s2, $0x0;
	_ =	strace $0x90000047  }
0x180: {  	s0 =	sadd.s32 @!p0 $0x100000, s0;
	[bflag:$0x2] =	sbarrier.arrive $0xFFFF  }
0x181: {  	[sflag:s0] =	ssyncadd.tile.s32 @!p0 $0x1;
	_ =	shalt  }
.Lfunc_end2:
_tile_overlayer_lowered:
.L_overlay_start_2:
0x182: {  	(tag) =	ssettag $0x2  }
0x183: {  	s0 =	rddreg [dreg:$0x0];
	s2 =	stileid.u32  }
0x184: {  	s1 =	rddreg [dreg:$0x1];
	p0 =	sne.s32 s2, $0x0  }
0x185: {  	s3 =	rddreg [dreg:$0x2];
	[bflag:$0x3] =	sbarrier.arrive $0xFFFF;
	s2 =	simm.s32 @!p0 $0x1C03  }
0x186: {  	[timem:s3], [sflag:s2] =	dma.local @!p0 [hbm:s0], s1  }
0x187: {  	s0 =	simm.s32 @!p0 $0x3  }
0x188: {  	_ =	swait.ge @!p0 [sflag:s0], s1  }
0x189: {  	s1 =	ssub.s32 @!p0 $0x0, s1;
	[sflag:s0] =	ssyncset.done @!p0 $0x0  }
0x18a: {  	[sflag:s0] =	ssyncadd.s32 @!p0 s1  }
0x18b: {  	[bflag:$0x3] =	sbarrier.arrive $0xFFFF  }
0x18c: {  	_ =	shalt  }

</sc_bundles>
